<compile_context>
chip_gen: v7x
topology: tpu7x:2x2x1
jax: 0.10.2.dev20260603
libtpu: 0.0.44.dev20260713+nightly
codegen_flags: <defaults>
</compile_context>

<pallas_src>
import functools

import jax
import jax.numpy as jnp
from jax import lax
from jax.experimental import pallas as pl
from jax.experimental.pallas import tpu as pltpu
from jax.experimental.pallas import tpu_sc as plsc

N = 10000
EMBED = 128
HIDDEN = 128
NCLS = 40
NCLS_PAD = 128

NC = 2
NS = 16
NW = NC * NS
CHUNK = 128

N_PAD = 10112
STRIPE = N_PAD // NS
TRASH = N

NA = 96
NB = 66


def _edge_layout(src, dst, na, nb):
    cap0 = NS * na * CHUNK
    cap1 = NS * nb * CHUNK
    pad = cap0 + cap1 - src.shape[0]
    pad_dst = jnp.full((pad,), TRASH, dst.dtype)
    srcf = jnp.concatenate([src, jnp.zeros((pad,), src.dtype)])
    dstf = jnp.concatenate([dst, pad_dst])
    nmax = max(na, nb)

    def part(a, start, n):
        b = a[start:start + NS * n * CHUNK].reshape(NS, n, CHUNK)
        if n < nmax:
            b = jnp.pad(b, ((0, 0), (0, nmax - n), (0, 0)))
        return b

    s3 = jnp.stack([part(srcf, 0, na), part(srcf, cap0, nb)])
    d3 = jnp.stack([part(dstf, 0, na), part(dstf, cap0, nb)])
    return s3, d3



def _sc_prop_body(na, nb, u_hbm, src_hbm, dst_hbm, zeros_hbm, out_hbm,
                  idx_s, idx_d, rows, acc, sem):
    c = lax.axis_index("c")
    s = lax.axis_index("s")
    nc = na if na == nb else lax.select(c == 0, na, nb)
    base = s * STRIPE
    pltpu.sync_copy(zeros_hbm.at[pl.ds(base, STRIPE)],
                    acc.at[pl.ds(base, STRIPE)])
    pltpu.sync_copy(src_hbm.at[c, s], idx_s)
    pltpu.sync_copy(dst_hbm.at[c, s], idx_d)
    plsc.subcore_barrier()

    def body(j, carry):
        pltpu.async_copy(u_hbm.at[idx_s.at[j]], rows, sem).wait()
        pltpu.sync_copy(rows, acc.at[idx_d.at[j]], add=True)
        return carry

    lax.fori_loop(0, nc, body, 0)
    plsc.subcore_barrier()
    pltpu.sync_copy(acc.at[pl.ds(base, STRIPE)],
                    out_hbm.at[c, pl.ds(base, STRIPE)])


def _sc_deg_body(n_chunks, dst_hbm, ones_hbm, zeros_hbm, out_hbm,
                 idx_d, ones_v, acc):
    c = lax.axis_index("c")
    s = lax.axis_index("s")
    base = s * STRIPE
    pltpu.sync_copy(zeros_hbm.at[pl.ds(base, STRIPE)],
                    acc.at[pl.ds(base, STRIPE)])
    pltpu.sync_copy(dst_hbm.at[c, s], idx_d)
    pltpu.sync_copy(ones_hbm, ones_v)
    plsc.subcore_barrier()

    def body(j, carry):
        pltpu.sync_copy(ones_v, acc.at[idx_d.at[j]], add=True)
        return carry

    lax.fori_loop(0, n_chunks, body, 0)
    plsc.subcore_barrier()
    pltpu.sync_copy(acc.at[pl.ds(base, STRIPE)],
                    out_hbm.at[c, pl.ds(base, STRIPE)])


def _sc_propagate(u, src3, dst3, zeros, na, nb, d):
    nmax = src3.shape[2]
    mesh = plsc.VectorSubcoreMesh(core_axis_name="c", subcore_axis_name="s")
    return pl.kernel(
        functools.partial(_sc_prop_body, na, nb),
        out_type=jax.ShapeDtypeStruct((NC, N_PAD, d), jnp.float32),
        mesh=mesh,
        scratch_types=[
            pltpu.VMEM((nmax, CHUNK), jnp.int32),
            pltpu.VMEM((nmax, CHUNK), jnp.int32),
            pltpu.VMEM((CHUNK, d), jnp.float32),
            pltpu.VMEM_SHARED((N_PAD, d), jnp.float32),
            pltpu.SemaphoreType.DMA,
        ],
    )(u, src3, dst3, zeros)


def _sc_degree(dst3, ones, zeros, n_chunks):
    mesh = plsc.VectorSubcoreMesh(core_axis_name="c", subcore_axis_name="s")
    return pl.kernel(
        functools.partial(_sc_deg_body, n_chunks),
        out_type=jax.ShapeDtypeStruct((NC, N_PAD, HIDDEN), jnp.float32),
        mesh=mesh,
        scratch_types=[
            pltpu.VMEM((n_chunks, CHUNK), jnp.int32),
            pltpu.VMEM((CHUNK, HIDDEN), jnp.float32),
            pltpu.VMEM_SHARED((N_PAD, HIDDEN), jnp.float32),
        ],
    )(dst3, ones, zeros)



BN = 400


def _prelu(x, a):
    return jnp.where(x > 0, x, a * x)


def _tc_in_body(deg_ref, num_x_ref, num_mask_ref, x_ref, w_num_ref, b_num_ref,
                a_in_ref, w_node_ref, b_node_ref, w1_ref, u1_ref, dinv_ref):
    deg = deg_ref[0, :, 0:1] + deg_ref[1, :, 0:1]
    dinv = jnp.where(deg > 0, lax.rsqrt(deg), 0.0)
    h = _prelu((num_x_ref[...] * num_mask_ref[...]) * w_num_ref[...]
               + b_num_ref[...], a_in_ref[...])
    h = h + jnp.dot(x_ref[...], w_node_ref[...],
                    preferred_element_type=jnp.float32) + b_node_ref[...]
    u1_ref[...] = jnp.dot(h, w1_ref[...],
                          preferred_element_type=jnp.float32) * dinv
    dinv_ref[...] = dinv


def _tc_mid_body(agg_ref, dinv_ref, b_ref, a_ref, w_ref, u_ref):
    dinv = dinv_ref[...]
    g = (agg_ref[0] + agg_ref[1]) * dinv + b_ref[...]
    h = _prelu(g, a_ref[...])
    u_ref[...] = jnp.dot(h, w_ref[...],
                         preferred_element_type=jnp.float32) * dinv


def _tc_out_body(agg_ref, dinv_ref, b_ref, out_ref):
    t = ((agg_ref[0, :, :NCLS] + agg_ref[1, :, :NCLS]) * dinv_ref[...]
         + b_ref[...])
    m = jnp.max(t, axis=1, keepdims=True)
    e = jnp.exp(t - m)
    lse = jnp.log(jnp.sum(e, axis=1, keepdims=True))
    out_ref[...] = t - m - lse


def _full(shape):
    return pl.BlockSpec(shape, lambda i: (0,) * len(shape))


def _rows(shape):
    return pl.BlockSpec(shape, lambda i: (i,) + (0,) * (len(shape) - 1))


def _tc_input_proj(deg2, num_x, num_mask, x, w_num, b_num, a_in, w_node,
                   b_node, w1):
    return pl.pallas_call(
        _tc_in_body,
        grid=(N // BN,),
        in_specs=[
            pl.BlockSpec((NC, BN, HIDDEN), lambda i: (0, i, 0)),
            _rows((BN, 1)), _rows((BN, 1)), _rows((BN, EMBED)),
            _full((1, EMBED)), _full((1, EMBED)), _full((1, EMBED)),
            _full((EMBED, HIDDEN)), _full((1, HIDDEN)),
            _full((HIDDEN, HIDDEN)),
        ],
        out_specs=[_rows((BN, HIDDEN)), _rows((BN, 1))],
        out_shape=[jax.ShapeDtypeStruct((N, HIDDEN), jnp.float32),
                   jax.ShapeDtypeStruct((N, 1), jnp.float32)],
    )(deg2, num_x, num_mask, x, w_num, b_num, a_in, w_node, b_node, w1)


def _tc_mid(agg, dinv, b, a, w):
    dout = w.shape[1]
    return pl.pallas_call(
        _tc_mid_body,
        grid=(N // BN,),
        in_specs=[
            pl.BlockSpec((NC, BN, HIDDEN), lambda i: (0, i, 0)),
            _rows((BN, 1)), _full((1, HIDDEN)), _full((1, HIDDEN)),
            _full((HIDDEN, dout)),
        ],
        out_specs=_rows((BN, dout)),
        out_shape=jax.ShapeDtypeStruct((N, dout), jnp.float32),
    )(agg, dinv, b, a, w)


def _tc_logits(agg, dinv, b3):
    return pl.pallas_call(
        _tc_out_body,
        grid=(N // BN,),
        in_specs=[
            pl.BlockSpec((NC, BN, NCLS_PAD), lambda i: (0, i, 0)),
            _rows((BN, 1)), _full((1, NCLS)),
        ],
        out_specs=_rows((BN, NCLS)),
        out_shape=jax.ShapeDtypeStruct((N, NCLS), jnp.float32),
    )(agg, dinv, b3)



def kernel(num_x, num_mask, x, edge_index, W_num, b_num, a_in, W_node,
           b_node, W1, b1, a1, W2, b2, a2, W3, b3):
    e = edge_index.shape[1]
    et = e + N

    loop = jnp.arange(N, dtype=edge_index.dtype)
    src = jnp.concatenate([edge_index[0], loop])
    dst = jnp.concatenate([edge_index[1], loop])

    nd = -(-et // (NW * CHUNK))
    _, dst3d = _edge_layout(src, dst, nd, nd)
    src3, dst3 = _edge_layout(src, dst, NA, NB)

    zeros128 = jnp.zeros((N_PAD, HIDDEN), jnp.float32)
    ones128 = jnp.ones((CHUNK, HIDDEN), jnp.float32)

    deg2 = _sc_degree(dst3d, ones128, zeros128, nd)

    u1, dinv = _tc_input_proj(
        deg2, num_x, num_mask, x, W_num, b_num.reshape(1, -1),
        a_in.reshape(1, -1), W_node, b_node.reshape(1, -1), W1)

    agg1 = _sc_propagate(u1, src3, dst3, zeros128, NA, NB, HIDDEN)
    u2 = _tc_mid(agg1, dinv, b1.reshape(1, -1), a1.reshape(1, -1), W2)

    agg2 = _sc_propagate(u2, src3, dst3, zeros128, NA, NB, HIDDEN)
    w3p = jnp.zeros((HIDDEN, NCLS_PAD), jnp.float32).at[:, :NCLS].set(W3)
    u3 = _tc_mid(agg2, dinv, b2.reshape(1, -1), a2.reshape(1, -1), w3p)

    agg3 = _sc_propagate(u3, src3, dst3, zeros128, NA, NB, NCLS_PAD)
    return _tc_logits(agg3, dinv, b3.reshape(1, -1))

# --- scband reference (transcript-rebuilt; emitter-appended) ---
"""Pipeline reference for scband-gcnnet-26972394619057 (READ-ONLY COPY).

The authoritative reference and input builder live on the scoring server;
editing this copy changes nothing except your own understanding.
"""

import jax, jax.numpy as jnp
import numpy as np

N = 10000
E = 320000
EMBED = 128
HIDDEN = 128
NUM_CLASSES = 40


def setup_inputs(seed: int = 0) -> dict:
    key = jax.random.key(seed)
    ks = jax.random.split(key, 12)

    def lin(k, fi, fo):
        return (jax.random.normal(k, (fi, fo), dtype=jnp.float32) * (1.0 / np.sqrt(fi))).astype(jnp.float32)

    inp = {}
    inp['num_x'] = jax.random.normal(ks[0], (N, 1), dtype=jnp.float32)
    inp['num_mask'] = jnp.ones((N, 1), dtype=jnp.float32)
    inp['x'] = jax.random.normal(ks[1], (N, EMBED), dtype=jnp.float32)
    inp['edge_index'] = jax.random.randint(ks[2], (2, E), 0, N, dtype=jnp.int32)
    # learned parameters
    inp['W_num'] = lin(ks[3], 1, EMBED)
    inp['b_num'] = jnp.zeros((EMBED,), jnp.float32)
    inp['a_in'] = jnp.full((EMBED,), 0.25, jnp.float32)
    inp['W_node'] = lin(ks[4], EMBED, HIDDEN)
    inp['b_node'] = jnp.zeros((HIDDEN,), jnp.float32)
    inp['W1'] = lin(ks[5], EMBED, HIDDEN)
    inp['b1'] = jnp.zeros((HIDDEN,), jnp.float32)
    inp['a1'] = jnp.full((HIDDEN,), 0.25, jnp.float32)
    inp['W2'] = lin(ks[6], HIDDEN, HIDDEN)
    inp['b2'] = jnp.zeros((HIDDEN,), jnp.float32)
    inp['a2'] = jnp.full((HIDDEN,), 0.25, jnp.float32)
    inp['W3'] = lin(ks[7], HIDDEN, NUM_CLASSES)
    inp['b3'] = jnp.zeros((NUM_CLASSES,), jnp.float32)
    return inp


def _prelu(x, a):
    return jnp.where(x > 0, x, a * x)


def _gcn_conv(h, src, dst, norm, W, b, n):
    # GCNConv (PyG semantics): x' = D^-1/2 (A + I) D^-1/2 (h W) + b
    hw = h @ W
    msg = hw[src] * norm[:, None]
    out = jnp.zeros((n, W.shape[1]), dtype=hw.dtype).at[dst].add(msg)
    return out + b


def reference(num_x, num_mask, x, edge_index, W_num, b_num, a_in, W_node, b_node, W1, b1, a1, W2, b2, a2, W3, b3):
    n = x.shape[0]
    loop = jnp.arange(n, dtype=edge_index.dtype)
    src = jnp.concatenate([edge_index[0], loop])
    dst = jnp.concatenate([edge_index[1], loop])
    deg = jnp.zeros((n,), jnp.float32).at[dst].add(1.0)
    dinv = jnp.where(deg > 0, 1.0 / jnp.sqrt(deg), 0.0)
    norm = dinv[src] * dinv[dst]

    num_h = _prelu((num_x * num_mask) @ W_num + b_num, a_in)
    h = num_h + (x @ W_node + b_node)
    h = _prelu(_gcn_conv(h, src, dst, norm, W1, b1, n), a1)
    # dropout is identity in eval mode
    h = _prelu(_gcn_conv(h, src, dst, norm, W2, b2, n), a2)
    h = _gcn_conv(h, src, dst, norm, W3, b3, n)
    return jax.nn.log_softmax(h, axis=1)

if __name__ == "__main__":
    import jax
    _d = setup_inputs()
    print(jax.jit(kernel)(*tuple(_d.values())))

</pallas_src>

<mosaic_0001>
#map = affine_map<(d0, d1) -> (0, 0, 0, 0)>
#map1 = affine_map<(d0, d1) -> (0, 0)>
#map2 = affine_map<(d0, d1) -> (0, 0, 0)>
module attributes {stable_mosaic.version = 14 : i64} {
  func.func @_sc_deg_body(%arg0: i32, %arg1: i32, %arg2: memref<2x16x81x128xi32, #tpu.memory_space<hbm>>, %arg3: memref<128x128xf32, #tpu.memory_space<hbm>>, %arg4: memref<10112x128xf32, #tpu.memory_space<hbm>>, %arg5: memref<2x10112x128xf32, #tpu.memory_space<hbm>>, %arg6: memref<81x128xi32, #tpu.memory_space<vmem>>, %arg7: memref<128x128xf32, #tpu.memory_space<vmem>>, %arg8: memref<10112x128xf32, #tpu.memory_space<vmem_shared>>) attributes {dimension_semantics = [#tpu.dimension_semantics<core_parallel>, #tpu.dimension_semantics<subcore_parallel>], iteration_bounds = array<i64: 2, 16>, scalar_prefetch = 0 : i64, scratch_operands = 3 : i64, tpu.core_type = #tpu.core_type<sc_vector_subcore>, window_params = [{transform_indices = #map}, {transform_indices = #map1}, {transform_indices = #map1}, {transform_indices = #map2}]} {
    %mul3A = arith.constant 632 : i32
    %mul3A_0 = arith.muli %arg1, %mul3A : i32
    "tpu.region"() ({
      %run_scoped3A = tpu.sem_alloc : memref<!tpu.dma_semaphore, #tpu.memory_space<semaphore_mem>>
      %dma_start3A = arith.constant 0 : i32
      %dma_start3A_7 = tpu.memref_slice %arg8[%mul3A_0, %dma_start3A] : memref<10112x128xf32, #tpu.memory_space<vmem_shared>> -> memref<632x128xf32, #tpu.memory_space<vmem_shared>>
      %dma_start3A_8 = arith.constant 0 : i32
      %dma_start3A_9 = tpu.memref_slice %arg4[%mul3A_0, %dma_start3A_8] : memref<10112x128xf32, #tpu.memory_space<hbm>> -> memref<632x128xf32, #tpu.memory_space<hbm>>
      tpu.enqueue_dma source(%dma_start3A_9 : memref<632x128xf32, #tpu.memory_space<hbm>>) target(%dma_start3A_7 : memref<632x128xf32, #tpu.memory_space<vmem_shared>>) target_semaphore(%run_scoped3A : memref<!tpu.dma_semaphore, #tpu.memory_space<semaphore_mem>>)
      %dma_wait3A = arith.constant 0 : i32
      %dma_wait3A_10 = tpu.memref_slice %arg8[%mul3A_0, %dma_wait3A] : memref<10112x128xf32, #tpu.memory_space<vmem_shared>> -> memref<632x128xf32, #tpu.memory_space<vmem_shared>>
      %dma_wait3A_11 = arith.constant 0 : i32
      %dma_wait3A_12 = tpu.memref_slice %arg4[%mul3A_0, %dma_wait3A_11] : memref<10112x128xf32, #tpu.memory_space<hbm>> -> memref<632x128xf32, #tpu.memory_space<hbm>>
      tpu.wait_dma2 semaphore(%run_scoped3A : memref<!tpu.dma_semaphore, #tpu.memory_space<semaphore_mem>>) src(%dma_wait3A_12 : memref<632x128xf32, #tpu.memory_space<hbm>>) dst(%dma_wait3A_10 : memref<632x128xf32, #tpu.memory_space<vmem_shared>>)
      tpu.yield
    }) : () -> ()
    "tpu.region"() ({
      %run_scoped3A = tpu.sem_alloc : memref<!tpu.dma_semaphore, #tpu.memory_space<semaphore_mem>>
      %dma_start3A = arith.constant 0 : i32
      %dma_start3A_7 = arith.constant 0 : i32
      %dma_start3A_8 = tpu.memref_slice %arg2[%arg0, %arg1, %dma_start3A, %dma_start3A_7] : memref<2x16x81x128xi32, #tpu.memory_space<hbm>> -> memref<1x1x81x128xi32, #tpu.memory_space<hbm>>
      %dma_start3A_9 = tpu.memref_squeeze %dma_start3A_8 : memref<1x1x81x128xi32, #tpu.memory_space<hbm>> -> memref<81x128xi32, #tpu.memory_space<hbm>>
      %dma_start3A_10 = arith.constant 0 : i32
      %dma_start3A_11 = arith.constant 0 : i32
      %dma_start3A_12 = tpu.memref_slice %arg2[%arg0, %arg1, %dma_start3A_10, %dma_start3A_11] : memref<2x16x81x128xi32, #tpu.memory_space<hbm>> -> memref<1x1x81x128xi32, #tpu.memory_space<hbm>>
      %dma_start3A_13 = tpu.memref_squeeze %dma_start3A_12 : memref<1x1x81x128xi32, #tpu.memory_space<hbm>> -> memref<81x128xi32, #tpu.memory_space<hbm>>
      tpu.enqueue_dma source(%dma_start3A_13 : memref<81x128xi32, #tpu.memory_space<hbm>>) target(%arg6 : memref<81x128xi32, #tpu.memory_space<vmem>>) target_semaphore(%run_scoped3A : memref<!tpu.dma_semaphore, #tpu.memory_space<semaphore_mem>>)
      %dma_wait3A = arith.constant 0 : i32
      %dma_wait3A_14 = arith.constant 0 : i32
      %dma_wait3A_15 = tpu.memref_slice %arg2[%arg0, %arg1, %dma_wait3A, %dma_wait3A_14] : memref<2x16x81x128xi32, #tpu.memory_space<hbm>> -> memref<1x1x81x128xi32, #tpu.memory_space<hbm>>
      %dma_wait3A_16 = tpu.memref_squeeze %dma_wait3A_15 : memref<1x1x81x128xi32, #tpu.memory_space<hbm>> -> memref<81x128xi32, #tpu.memory_space<hbm>>
      %dma_wait3A_17 = arith.constant 0 : i32
      %dma_wait3A_18 = arith.constant 0 : i32
      %dma_wait3A_19 = tpu.memref_slice %arg2[%arg0, %arg1, %dma_wait3A_17, %dma_wait3A_18] : memref<2x16x81x128xi32, #tpu.memory_space<hbm>> -> memref<1x1x81x128xi32, #tpu.memory_space<hbm>>
      %dma_wait3A_20 = tpu.memref_squeeze %dma_wait3A_19 : memref<1x1x81x128xi32, #tpu.memory_space<hbm>> -> memref<81x128xi32, #tpu.memory_space<hbm>>
      tpu.wait_dma2 semaphore(%run_scoped3A : memref<!tpu.dma_semaphore, #tpu.memory_space<semaphore_mem>>) src(%dma_wait3A_20 : memref<81x128xi32, #tpu.memory_space<hbm>>) dst(%arg6 : memref<81x128xi32, #tpu.memory_space<vmem>>)
      tpu.yield
    }) : () -> ()
    "tpu.region"() ({
      %run_scoped3A = tpu.sem_alloc : memref<!tpu.dma_semaphore, #tpu.memory_space<semaphore_mem>>
      tpu.enqueue_dma source(%arg3 : memref<128x128xf32, #tpu.memory_space<hbm>>) target(%arg7 : memref<128x128xf32, #tpu.memory_space<vmem>>) target_semaphore(%run_scoped3A : memref<!tpu.dma_semaphore, #tpu.memory_space<semaphore_mem>>)
      tpu.wait_dma2 semaphore(%run_scoped3A : memref<!tpu.dma_semaphore, #tpu.memory_space<semaphore_mem>>) src(%arg3 : memref<128x128xf32, #tpu.memory_space<hbm>>) dst(%arg7 : memref<128x128xf32, #tpu.memory_space<vmem>>)
      tpu.yield
    }) : () -> ()
    %barrier3A = arith.constant 0 : index
    tpu.barrier barrier_id(%barrier3A)
    %scan3A = arith.constant 0 : i32
    %scan3A_1 = arith.constant 0 : i32
    %scan3A_2 = arith.constant 81 : i32
    %scan3A_3 = arith.addi %scan3A_1, %scan3A_2 : i32
    %scan3A_4 = arith.constant 1 : i32
    scf.for %scan3A_7 = %scan3A_1 to %scan3A_3 step %scan3A_4  : i32 {
      "tpu.region"() ({
        %run_scoped3A = tpu.sem_alloc : memref<!tpu.dma_semaphore, #tpu.memory_space<semaphore_mem>>
        %dma_start3A = arith.constant 0 : i32
        %dma_start3A_8 = tpu.memref_slice %arg6[%scan3A_7, %dma_start3A] : memref<81x128xi32, #tpu.memory_space<vmem>> -> memref<1x128xi32, #tpu.memory_space<vmem>>
        %dma_start3A_9 = tpu.memref_squeeze %dma_start3A_8 : memref<1x128xi32, #tpu.memory_space<vmem>> -> memref<128xi32, #tpu.memory_space<vmem>>
        %dma_start3A_10 = arith.constant 0 : i32
        %dma_start3A_11 = arith.constant 0 : i32
        %dma_start3A_12 = tpu.memref_slice %arg8[%dma_start3A_10, %dma_start3A_11] : memref<10112x128xf32, #tpu.memory_space<vmem_shared>> -> memref<10112x128xf32, #tpu.memory_space<vmem_shared>>
        tpu.enqueue_indirect_dma source(%arg7 : memref<128x128xf32, #tpu.memory_space<vmem>>) target(%dma_start3A_12 : memref<10112x128xf32, #tpu.memory_space<vmem_shared>>) offsets(%dma_start3A_9 : memref<128xi32, #tpu.memory_space<vmem>>) semaphore(%run_scoped3A : memref<!tpu.dma_semaphore, #tpu.memory_space<semaphore_mem>>) {add = true}
        %dma_wait3A = arith.constant 0 : i32
        %dma_wait3A_13 = tpu.memref_slice %arg6[%scan3A_7, %dma_wait3A] : memref<81x128xi32, #tpu.memory_space<vmem>> -> memref<1x128xi32, #tpu.memory_space<vmem>>
        %dma_wait3A_14 = tpu.memref_squeeze %dma_wait3A_13 : memref<1x128xi32, #tpu.memory_space<vmem>> -> memref<128xi32, #tpu.memory_space<vmem>>
        %dma_wait3A_15 = arith.constant 0 : i32
        %dma_wait3A_16 = arith.constant 0 : i32
        %dma_wait3A_17 = tpu.memref_slice %arg8[%dma_wait3A_15, %dma_wait3A_16] : memref<10112x128xf32, #tpu.memory_space<vmem_shared>> -> memref<10112x128xf32, #tpu.memory_space<vmem_shared>>
        tpu.wait_indirect_dma semaphore(%run_scoped3A : memref<!tpu.dma_semaphore, #tpu.memory_space<semaphore_mem>>) src(%arg7 : memref<128x128xf32, #tpu.memory_space<vmem>>) dst(%dma_wait3A_17 : memref<10112x128xf32, #tpu.memory_space<vmem_shared>>)
        tpu.yield
      }) : () -> ()
    }
    %scan3A_5 = arith.constant 81 : i32
    %barrier3A_6 = arith.constant 0 : index
    tpu.barrier barrier_id(%barrier3A_6)
    "tpu.region"() ({
      %run_scoped3A = tpu.sem_alloc : memref<!tpu.dma_semaphore, #tpu.memory_space<semaphore_mem>>
      %dma_start3A = arith.constant 0 : i32
      %dma_start3A_7 = tpu.memref_slice %arg5[%arg0, %mul3A_0, %dma_start3A] : memref<2x10112x128xf32, #tpu.memory_space<hbm>> -> memref<1x632x128xf32, #tpu.memory_space<hbm>>
      %dma_start3A_8 = tpu.memref_squeeze %dma_start3A_7 : memref<1x632x128xf32, #tpu.memory_space<hbm>> -> memref<632x128xf32, #tpu.memory_space<hbm>>
      %dma_start3A_9 = arith.constant 0 : i32
      %dma_start3A_10 = tpu.memref_slice %arg8[%mul3A_0, %dma_start3A_9] : memref<10112x128xf32, #tpu.memory_space<vmem_shared>> -> memref<632x128xf32, #tpu.memory_space<vmem_shared>>
      tpu.enqueue_dma source(%dma_start3A_10 : memref<632x128xf32, #tpu.memory_space<vmem_shared>>) target(%dma_start3A_8 : memref<632x128xf32, #tpu.memory_space<hbm>>) target_semaphore(%run_scoped3A : memref<!tpu.dma_semaphore, #tpu.memory_space<semaphore_mem>>)
      %dma_wait3A = arith.constant 0 : i32
      %dma_wait3A_11 = tpu.memref_slice %arg5[%arg0, %mul3A_0, %dma_wait3A] : memref<2x10112x128xf32, #tpu.memory_space<hbm>> -> memref<1x632x128xf32, #tpu.memory_space<hbm>>
      %dma_wait3A_12 = tpu.memref_squeeze %dma_wait3A_11 : memref<1x632x128xf32, #tpu.memory_space<hbm>> -> memref<632x128xf32, #tpu.memory_space<hbm>>
      %dma_wait3A_13 = arith.constant 0 : i32
      %dma_wait3A_14 = tpu.memref_slice %arg8[%mul3A_0, %dma_wait3A_13] : memref<10112x128xf32, #tpu.memory_space<vmem_shared>> -> memref<632x128xf32, #tpu.memory_space<vmem_shared>>
      tpu.wait_dma2 semaphore(%run_scoped3A : memref<!tpu.dma_semaphore, #tpu.memory_space<semaphore_mem>>) src(%dma_wait3A_14 : memref<632x128xf32, #tpu.memory_space<vmem_shared>>) dst(%dma_wait3A_12 : memref<632x128xf32, #tpu.memory_space<hbm>>)
      tpu.yield
    }) : () -> ()
    return
  }
}

#map = affine_map<(d0, d1) -> (0, 0)>
#map1 = affine_map<(d0, d1) -> (0, 0, 0, 0)>
#map2 = affine_map<(d0, d1) -> (0, 0, 0)>
module attributes {stable_mosaic.version = 14 : i64} {
  func.func @_sc_prop_body(%arg0: i32, %arg1: i32, %arg2: memref<10000x128xf32, #tpu.memory_space<hbm>>, %arg3: memref<2x16x96x128xi32, #tpu.memory_space<hbm>>, %arg4: memref<2x16x96x128xi32, #tpu.memory_space<hbm>>, %arg5: memref<10112x128xf32, #tpu.memory_space<hbm>>, %arg6: memref<2x10112x128xf32, #tpu.memory_space<hbm>>, %arg7: memref<96x128xi32, #tpu.memory_space<vmem>>, %arg8: memref<96x128xi32, #tpu.memory_space<vmem>>, %arg9: memref<128x128xf32, #tpu.memory_space<vmem>>, %arg10: memref<10112x128xf32, #tpu.memory_space<vmem_shared>>, %arg11: memref<!tpu.dma_semaphore, #tpu.memory_space<semaphore_mem>>) attributes {dimension_semantics = [#tpu.dimension_semantics<core_parallel>, #tpu.dimension_semantics<subcore_parallel>], iteration_bounds = array<i64: 2, 16>, scalar_prefetch = 0 : i64, scratch_operands = 5 : i64, tpu.core_type = #tpu.core_type<sc_vector_subcore>, window_params = [{transform_indices = #map}, {transform_indices = #map1}, {transform_indices = #map1}, {transform_indices = #map}, {transform_indices = #map2}]} {
    %eq3A = arith.constant 0 : i32
    %eq3A_0 = arith.cmpi eq, %arg0, %eq3A : i32
    %select_n3A = arith.constant 66 : i32
    %select_n3A_1 = arith.constant 96 : i32
    %select_n3A_2 = arith.select %eq3A_0, %select_n3A_1, %select_n3A : i32
    %mul3A = arith.constant 632 : i32
    %mul3A_3 = arith.muli %arg1, %mul3A : i32
    "tpu.region"() ({
      %run_scoped3A = tpu.sem_alloc : memref<!tpu.dma_semaphore, #tpu.memory_space<semaphore_mem>>
      %dma_start3A = arith.constant 0 : i32
      %dma_start3A_14 = tpu.memref_slice %arg10[%mul3A_3, %dma_start3A] : memref<10112x128xf32, #tpu.memory_space<vmem_shared>> -> memref<632x128xf32, #tpu.memory_space<vmem_shared>>
      %dma_start3A_15 = arith.constant 0 : i32
      %dma_start3A_16 = tpu.memref_slice %arg5[%mul3A_3, %dma_start3A_15] : memref<10112x128xf32, #tpu.memory_space<hbm>> -> memref<632x128xf32, #tpu.memory_space<hbm>>
      tpu.enqueue_dma source(%dma_start3A_16 : memref<632x128xf32, #tpu.memory_space<hbm>>) target(%dma_start3A_14 : memref<632x128xf32, #tpu.memory_space<vmem_shared>>) target_semaphore(%run_scoped3A : memref<!tpu.dma_semaphore, #tpu.memory_space<semaphore_mem>>)
      %dma_wait3A = arith.constant 0 : i32
      %dma_wait3A_17 = tpu.memref_slice %arg10[%mul3A_3, %dma_wait3A] : memref<10112x128xf32, #tpu.memory_space<vmem_shared>> -> memref<632x128xf32, #tpu.memory_space<vmem_shared>>
      %dma_wait3A_18 = arith.constant 0 : i32
      %dma_wait3A_19 = tpu.memref_slice %arg5[%mul3A_3, %dma_wait3A_18] : memref<10112x128xf32, #tpu.memory_space<hbm>> -> memref<632x128xf32, #tpu.memory_space<hbm>>
      tpu.wait_dma2 semaphore(%run_scoped3A : memref<!tpu.dma_semaphore, #tpu.memory_space<semaphore_mem>>) src(%dma_wait3A_19 : memref<632x128xf32, #tpu.memory_space<hbm>>) dst(%dma_wait3A_17 : memref<632x128xf32, #tpu.memory_space<vmem_shared>>)
      tpu.yield
    }) : () -> ()
    "tpu.region"() ({
      %run_scoped3A = tpu.sem_alloc : memref<!tpu.dma_semaphore, #tpu.memory_space<semaphore_mem>>
      %dma_start3A = arith.constant 0 : i32
      %dma_start3A_14 = arith.constant 0 : i32
      %dma_start3A_15 = tpu.memref_slice %arg3[%arg0, %arg1, %dma_start3A, %dma_start3A_14] : memref<2x16x96x128xi32, #tpu.memory_space<hbm>> -> memref<1x1x96x128xi32, #tpu.memory_space<hbm>>
      %dma_start3A_16 = tpu.memref_squeeze %dma_start3A_15 : memref<1x1x96x128xi32, #tpu.memory_space<hbm>> -> memref<96x128xi32, #tpu.memory_space<hbm>>
      %dma_start3A_17 = arith.constant 0 : i32
      %dma_start3A_18 = arith.constant 0 : i32
      %dma_start3A_19 = tpu.memref_slice %arg3[%arg0, %arg1, %dma_start3A_17, %dma_start3A_18] : memref<2x16x96x128xi32, #tpu.memory_space<hbm>> -> memref<1x1x96x128xi32, #tpu.memory_space<hbm>>
      %dma_start3A_20 = tpu.memref_squeeze %dma_start3A_19 : memref<1x1x96x128xi32, #tpu.memory_space<hbm>> -> memref<96x128xi32, #tpu.memory_space<hbm>>
      tpu.enqueue_dma source(%dma_start3A_20 : memref<96x128xi32, #tpu.memory_space<hbm>>) target(%arg7 : memref<96x128xi32, #tpu.memory_space<vmem>>) target_semaphore(%run_scoped3A : memref<!tpu.dma_semaphore, #tpu.memory_space<semaphore_mem>>)
      %dma_wait3A = arith.constant 0 : i32
      %dma_wait3A_21 = arith.constant 0 : i32
      %dma_wait3A_22 = tpu.memref_slice %arg3[%arg0, %arg1, %dma_wait3A, %dma_wait3A_21] : memref<2x16x96x128xi32, #tpu.memory_space<hbm>> -> memref<1x1x96x128xi32, #tpu.memory_space<hbm>>
      %dma_wait3A_23 = tpu.memref_squeeze %dma_wait3A_22 : memref<1x1x96x128xi32, #tpu.memory_space<hbm>> -> memref<96x128xi32, #tpu.memory_space<hbm>>
      %dma_wait3A_24 = arith.constant 0 : i32
      %dma_wait3A_25 = arith.constant 0 : i32
      %dma_wait3A_26 = tpu.memref_slice %arg3[%arg0, %arg1, %dma_wait3A_24, %dma_wait3A_25] : memref<2x16x96x128xi32, #tpu.memory_space<hbm>> -> memref<1x1x96x128xi32, #tpu.memory_space<hbm>>
      %dma_wait3A_27 = tpu.memref_squeeze %dma_wait3A_26 : memref<1x1x96x128xi32, #tpu.memory_space<hbm>> -> memref<96x128xi32, #tpu.memory_space<hbm>>
      tpu.wait_dma2 semaphore(%run_scoped3A : memref<!tpu.dma_semaphore, #tpu.memory_space<semaphore_mem>>) src(%dma_wait3A_27 : memref<96x128xi32, #tpu.memory_space<hbm>>) dst(%arg7 : memref<96x128xi32, #tpu.memory_space<vmem>>)
      tpu.yield
    }) : () -> ()
    "tpu.region"() ({
      %run_scoped3A = tpu.sem_alloc : memref<!tpu.dma_semaphore, #tpu.memory_space<semaphore_mem>>
      %dma_start3A = arith.constant 0 : i32
      %dma_start3A_14 = arith.constant 0 : i32
      %dma_start3A_15 = tpu.memref_slice %arg4[%arg0, %arg1, %dma_start3A, %dma_start3A_14] : memref<2x16x96x128xi32, #tpu.memory_space<hbm>> -> memref<1x1x96x128xi32, #tpu.memory_space<hbm>>
      %dma_start3A_16 = tpu.memref_squeeze %dma_start3A_15 : memref<1x1x96x128xi32, #tpu.memory_space<hbm>> -> memref<96x128xi32, #tpu.memory_space<hbm>>
      %dma_start3A_17 = arith.constant 0 : i32
      %dma_start3A_18 = arith.constant 0 : i32
      %dma_start3A_19 = tpu.memref_slice %arg4[%arg0, %arg1, %dma_start3A_17, %dma_start3A_18] : memref<2x16x96x128xi32, #tpu.memory_space<hbm>> -> memref<1x1x96x128xi32, #tpu.memory_space<hbm>>
      %dma_start3A_20 = tpu.memref_squeeze %dma_start3A_19 : memref<1x1x96x128xi32, #tpu.memory_space<hbm>> -> memref<96x128xi32, #tpu.memory_space<hbm>>
      tpu.enqueue_dma source(%dma_start3A_20 : memref<96x128xi32, #tpu.memory_space<hbm>>) target(%arg8 : memref<96x128xi32, #tpu.memory_space<vmem>>) target_semaphore(%run_scoped3A : memref<!tpu.dma_semaphore, #tpu.memory_space<semaphore_mem>>)
      %dma_wait3A = arith.constant 0 : i32
      %dma_wait3A_21 = arith.constant 0 : i32
      %dma_wait3A_22 = tpu.memref_slice %arg4[%arg0, %arg1, %dma_wait3A, %dma_wait3A_21] : memref<2x16x96x128xi32, #tpu.memory_space<hbm>> -> memref<1x1x96x128xi32, #tpu.memory_space<hbm>>
      %dma_wait3A_23 = tpu.memref_squeeze %dma_wait3A_22 : memref<1x1x96x128xi32, #tpu.memory_space<hbm>> -> memref<96x128xi32, #tpu.memory_space<hbm>>
      %dma_wait3A_24 = arith.constant 0 : i32
      %dma_wait3A_25 = arith.constant 0 : i32
      %dma_wait3A_26 = tpu.memref_slice %arg4[%arg0, %arg1, %dma_wait3A_24, %dma_wait3A_25] : memref<2x16x96x128xi32, #tpu.memory_space<hbm>> -> memref<1x1x96x128xi32, #tpu.memory_space<hbm>>
      %dma_wait3A_27 = tpu.memref_squeeze %dma_wait3A_26 : memref<1x1x96x128xi32, #tpu.memory_space<hbm>> -> memref<96x128xi32, #tpu.memory_space<hbm>>
      tpu.wait_dma2 semaphore(%run_scoped3A : memref<!tpu.dma_semaphore, #tpu.memory_space<semaphore_mem>>) src(%dma_wait3A_27 : memref<96x128xi32, #tpu.memory_space<hbm>>) dst(%arg8 : memref<96x128xi32, #tpu.memory_space<vmem>>)
      tpu.yield
    }) : () -> ()
    %barrier3A = arith.constant 0 : index
    tpu.barrier barrier_id(%barrier3A)
    %while3A = arith.constant 0 : i32
    %while3A_4 = arith.constant 0 : i32
    %while3A_5 = arith.subi %select_n3A_2, %while3A_4 : i32
    %while3A_6 = arith.addi %while3A_4, %while3A_5 : i32
    %while3A_7 = arith.constant 1 : i32
    %while3A_8 = arith.divsi %while3A_5, %while3A_7 : i32
    %while3A_9 = arith.muli %while3A_8, %while3A_7 : i32
    %while3A_10 = arith.addi %while3A_4, %while3A_9 : i32
    %while3A_11 = arith.constant 1 : i32
    scf.for %while3A_14 = %while3A_4 to %while3A_10 step %while3A_11  : i32 {
      %dma_start3A = arith.constant 0 : i32
      %dma_start3A_15 = tpu.memref_slice %arg7[%while3A_14, %dma_start3A] : memref<96x128xi32, #tpu.memory_space<vmem>> -> memref<1x128xi32, #tpu.memory_space<vmem>>
      %dma_start3A_16 = tpu.memref_squeeze %dma_start3A_15 : memref<1x128xi32, #tpu.memory_space<vmem>> -> memref<128xi32, #tpu.memory_space<vmem>>
      %dma_start3A_17 = arith.constant 0 : i32
      %dma_start3A_18 = arith.constant 0 : i32
      %dma_start3A_19 = tpu.memref_slice %arg2[%dma_start3A_17, %dma_start3A_18] : memref<10000x128xf32, #tpu.memory_space<hbm>> -> memref<10000x128xf32, #tpu.memory_space<hbm>>
      tpu.enqueue_indirect_dma source(%dma_start3A_19 : memref<10000x128xf32, #tpu.memory_space<hbm>>) target(%arg9 : memref<128x128xf32, #tpu.memory_space<vmem>>) offsets(%dma_start3A_16 : memref<128xi32, #tpu.memory_space<vmem>>) semaphore(%arg11 : memref<!tpu.dma_semaphore, #tpu.memory_space<semaphore_mem>>)
      %dma_wait3A = arith.constant 0 : i32
      %dma_wait3A_20 = tpu.memref_slice %arg7[%while3A_14, %dma_wait3A] : memref<96x128xi32, #tpu.memory_space<vmem>> -> memref<1x128xi32, #tpu.memory_space<vmem>>
      %dma_wait3A_21 = tpu.memref_squeeze %dma_wait3A_20 : memref<1x128xi32, #tpu.memory_space<vmem>> -> memref<128xi32, #tpu.memory_space<vmem>>
      %dma_wait3A_22 = arith.constant 0 : i32
      %dma_wait3A_23 = arith.constant 0 : i32
      %dma_wait3A_24 = tpu.memref_slice %arg2[%dma_wait3A_22, %dma_wait3A_23] : memref<10000x128xf32, #tpu.memory_space<hbm>> -> memref<10000x128xf32, #tpu.memory_space<hbm>>
      tpu.wait_indirect_dma semaphore(%arg11 : memref<!tpu.dma_semaphore, #tpu.memory_space<semaphore_mem>>) src(%dma_wait3A_24 : memref<10000x128xf32, #tpu.memory_space<hbm>>) dst(%arg9 : memref<128x128xf32, #tpu.memory_space<vmem>>)
      "tpu.region"() ({
        %run_scoped3A = tpu.sem_alloc : memref<!tpu.dma_semaphore, #tpu.memory_space<semaphore_mem>>
        %dma_start3A_25 = arith.constant 0 : i32
        %dma_start3A_26 = tpu.memref_slice %arg8[%while3A_14, %dma_start3A_25] : memref<96x128xi32, #tpu.memory_space<vmem>> -> memref<1x128xi32, #tpu.memory_space<vmem>>
        %dma_start3A_27 = tpu.memref_squeeze %dma_start3A_26 : memref<1x128xi32, #tpu.memory_space<vmem>> -> memref<128xi32, #tpu.memory_space<vmem>>
        %dma_start3A_28 = arith.constant 0 : i32
        %dma_start3A_29 = arith.constant 0 : i32
        %dma_start3A_30 = tpu.memref_slice %arg10[%dma_start3A_28, %dma_start3A_29] : memref<10112x128xf32, #tpu.memory_space<vmem_shared>> -> memref<10112x128xf32, #tpu.memory_space<vmem_shared>>
        tpu.enqueue_indirect_dma source(%arg9 : memref<128x128xf32, #tpu.memory_space<vmem>>) target(%dma_start3A_30 : memref<10112x128xf32, #tpu.memory_space<vmem_shared>>) offsets(%dma_start3A_27 : memref<128xi32, #tpu.memory_space<vmem>>) semaphore(%run_scoped3A : memref<!tpu.dma_semaphore, #tpu.memory_space<semaphore_mem>>) {add = true}
        %dma_wait3A_31 = arith.constant 0 : i32
        %dma_wait3A_32 = tpu.memref_slice %arg8[%while3A_14, %dma_wait3A_31] : memref<96x128xi32, #tpu.memory_space<vmem>> -> memref<1x128xi32, #tpu.memory_space<vmem>>
        %dma_wait3A_33 = tpu.memref_squeeze %dma_wait3A_32 : memref<1x128xi32, #tpu.memory_space<vmem>> -> memref<128xi32, #tpu.memory_space<vmem>>
        %dma_wait3A_34 = arith.constant 0 : i32
        %dma_wait3A_35 = arith.constant 0 : i32
        %dma_wait3A_36 = tpu.memref_slice %arg10[%dma_wait3A_34, %dma_wait3A_35] : memref<10112x128xf32, #tpu.memory_space<vmem_shared>> -> memref<10112x128xf32, #tpu.memory_space<vmem_shared>>
        tpu.wait_indirect_dma semaphore(%run_scoped3A : memref<!tpu.dma_semaphore, #tpu.memory_space<semaphore_mem>>) src(%arg9 : memref<128x128xf32, #tpu.memory_space<vmem>>) dst(%dma_wait3A_36 : memref<10112x128xf32, #tpu.memory_space<vmem_shared>>)
        tpu.yield
      }) : () -> ()
    }
    %while3A_12 = arith.constant 1 : i32
    scf.for %while3A_14 = %while3A_10 to %while3A_6 step %while3A_12  : i32 {
      %dma_start3A = arith.constant 0 : i32
      %dma_start3A_15 = tpu.memref_slice %arg7[%while3A_14, %dma_start3A] : memref<96x128xi32, #tpu.memory_space<vmem>> -> memref<1x128xi32, #tpu.memory_space<vmem>>
      %dma_start3A_16 = tpu.memref_squeeze %dma_start3A_15 : memref<1x128xi32, #tpu.memory_space<vmem>> -> memref<128xi32, #tpu.memory_space<vmem>>
      %dma_start3A_17 = arith.constant 0 : i32
      %dma_start3A_18 = arith.constant 0 : i32
      %dma_start3A_19 = tpu.memref_slice %arg2[%dma_start3A_17, %dma_start3A_18] : memref<10000x128xf32, #tpu.memory_space<hbm>> -> memref<10000x128xf32, #tpu.memory_space<hbm>>
      tpu.enqueue_indirect_dma source(%dma_start3A_19 : memref<10000x128xf32, #tpu.memory_space<hbm>>) target(%arg9 : memref<128x128xf32, #tpu.memory_space<vmem>>) offsets(%dma_start3A_16 : memref<128xi32, #tpu.memory_space<vmem>>) semaphore(%arg11 : memref<!tpu.dma_semaphore, #tpu.memory_space<semaphore_mem>>)
      %dma_wait3A = arith.constant 0 : i32
      %dma_wait3A_20 = tpu.memref_slice %arg7[%while3A_14, %dma_wait3A] : memref<96x128xi32, #tpu.memory_space<vmem>> -> memref<1x128xi32, #tpu.memory_space<vmem>>
      %dma_wait3A_21 = tpu.memref_squeeze %dma_wait3A_20 : memref<1x128xi32, #tpu.memory_space<vmem>> -> memref<128xi32, #tpu.memory_space<vmem>>
      %dma_wait3A_22 = arith.constant 0 : i32
      %dma_wait3A_23 = arith.constant 0 : i32
      %dma_wait3A_24 = tpu.memref_slice %arg2[%dma_wait3A_22, %dma_wait3A_23] : memref<10000x128xf32, #tpu.memory_space<hbm>> -> memref<10000x128xf32, #tpu.memory_space<hbm>>
      tpu.wait_indirect_dma semaphore(%arg11 : memref<!tpu.dma_semaphore, #tpu.memory_space<semaphore_mem>>) src(%dma_wait3A_24 : memref<10000x128xf32, #tpu.memory_space<hbm>>) dst(%arg9 : memref<128x128xf32, #tpu.memory_space<vmem>>)
      "tpu.region"() ({
        %run_scoped3A = tpu.sem_alloc : memref<!tpu.dma_semaphore, #tpu.memory_space<semaphore_mem>>
        %dma_start3A_25 = arith.constant 0 : i32
        %dma_start3A_26 = tpu.memref_slice %arg8[%while3A_14, %dma_start3A_25] : memref<96x128xi32, #tpu.memory_space<vmem>> -> memref<1x128xi32, #tpu.memory_space<vmem>>
        %dma_start3A_27 = tpu.memref_squeeze %dma_start3A_26 : memref<1x128xi32, #tpu.memory_space<vmem>> -> memref<128xi32, #tpu.memory_space<vmem>>
        %dma_start3A_28 = arith.constant 0 : i32
        %dma_start3A_29 = arith.constant 0 : i32
        %dma_start3A_30 = tpu.memref_slice %arg10[%dma_start3A_28, %dma_start3A_29] : memref<10112x128xf32, #tpu.memory_space<vmem_shared>> -> memref<10112x128xf32, #tpu.memory_space<vmem_shared>>
        tpu.enqueue_indirect_dma source(%arg9 : memref<128x128xf32, #tpu.memory_space<vmem>>) target(%dma_start3A_30 : memref<10112x128xf32, #tpu.memory_space<vmem_shared>>) offsets(%dma_start3A_27 : memref<128xi32, #tpu.memory_space<vmem>>) semaphore(%run_scoped3A : memref<!tpu.dma_semaphore, #tpu.memory_space<semaphore_mem>>) {add = true}
        %dma_wait3A_31 = arith.constant 0 : i32
        %dma_wait3A_32 = tpu.memref_slice %arg8[%while3A_14, %dma_wait3A_31] : memref<96x128xi32, #tpu.memory_space<vmem>> -> memref<1x128xi32, #tpu.memory_space<vmem>>
        %dma_wait3A_33 = tpu.memref_squeeze %dma_wait3A_32 : memref<1x128xi32, #tpu.memory_space<vmem>> -> memref<128xi32, #tpu.memory_space<vmem>>
        %dma_wait3A_34 = arith.constant 0 : i32
        %dma_wait3A_35 = arith.constant 0 : i32
        %dma_wait3A_36 = tpu.memref_slice %arg10[%dma_wait3A_34, %dma_wait3A_35] : memref<10112x128xf32, #tpu.memory_space<vmem_shared>> -> memref<10112x128xf32, #tpu.memory_space<vmem_shared>>
        tpu.wait_indirect_dma semaphore(%run_scoped3A : memref<!tpu.dma_semaphore, #tpu.memory_space<semaphore_mem>>) src(%arg9 : memref<128x128xf32, #tpu.memory_space<vmem>>) dst(%dma_wait3A_36 : memref<10112x128xf32, #tpu.memory_space<vmem_shared>>)
        tpu.yield
      }) : () -> ()
    }
    %barrier3A_13 = arith.constant 0 : index
    tpu.barrier barrier_id(%barrier3A_13)
    "tpu.region"() ({
      %run_scoped3A = tpu.sem_alloc : memref<!tpu.dma_semaphore, #tpu.memory_space<semaphore_mem>>
      %dma_start3A = arith.constant 0 : i32
      %dma_start3A_14 = tpu.memref_slice %arg6[%arg0, %mul3A_3, %dma_start3A] : memref<2x10112x128xf32, #tpu.memory_space<hbm>> -> memref<1x632x128xf32, #tpu.memory_space<hbm>>
      %dma_start3A_15 = tpu.memref_squeeze %dma_start3A_14 : memref<1x632x128xf32, #tpu.memory_space<hbm>> -> memref<632x128xf32, #tpu.memory_space<hbm>>
      %dma_start3A_16 = arith.constant 0 : i32
      %dma_start3A_17 = tpu.memref_slice %arg10[%mul3A_3, %dma_start3A_16] : memref<10112x128xf32, #tpu.memory_space<vmem_shared>> -> memref<632x128xf32, #tpu.memory_space<vmem_shared>>
      tpu.enqueue_dma source(%dma_start3A_17 : memref<632x128xf32, #tpu.memory_space<vmem_shared>>) target(%dma_start3A_15 : memref<632x128xf32, #tpu.memory_space<hbm>>) target_semaphore(%run_scoped3A : memref<!tpu.dma_semaphore, #tpu.memory_space<semaphore_mem>>)
      %dma_wait3A = arith.constant 0 : i32
      %dma_wait3A_18 = tpu.memref_slice %arg6[%arg0, %mul3A_3, %dma_wait3A] : memref<2x10112x128xf32, #tpu.memory_space<hbm>> -> memref<1x632x128xf32, #tpu.memory_space<hbm>>
      %dma_wait3A_19 = tpu.memref_squeeze %dma_wait3A_18 : memref<1x632x128xf32, #tpu.memory_space<hbm>> -> memref<632x128xf32, #tpu.memory_space<hbm>>
      %dma_wait3A_20 = arith.constant 0 : i32
      %dma_wait3A_21 = tpu.memref_slice %arg10[%mul3A_3, %dma_wait3A_20] : memref<10112x128xf32, #tpu.memory_space<vmem_shared>> -> memref<632x128xf32, #tpu.memory_space<vmem_shared>>
      tpu.wait_dma2 semaphore(%run_scoped3A : memref<!tpu.dma_semaphore, #tpu.memory_space<semaphore_mem>>) src(%dma_wait3A_21 : memref<632x128xf32, #tpu.memory_space<vmem_shared>>) dst(%dma_wait3A_19 : memref<632x128xf32, #tpu.memory_space<hbm>>)
      tpu.yield
    }) : () -> ()
    return
  }
}

#map = affine_map<(d0, d1) -> (0, 0)>
#map1 = affine_map<(d0, d1) -> (0, 0, 0, 0)>
#map2 = affine_map<(d0, d1) -> (0, 0, 0)>
module attributes {stable_mosaic.version = 14 : i64} {
  func.func @_sc_prop_body(%arg0: i32, %arg1: i32, %arg2: memref<10000x128xf32, #tpu.memory_space<hbm>>, %arg3: memref<2x16x96x128xi32, #tpu.memory_space<hbm>>, %arg4: memref<2x16x96x128xi32, #tpu.memory_space<hbm>>, %arg5: memref<10112x128xf32, #tpu.memory_space<hbm>>, %arg6: memref<2x10112x128xf32, #tpu.memory_space<hbm>>, %arg7: memref<96x128xi32, #tpu.memory_space<vmem>>, %arg8: memref<96x128xi32, #tpu.memory_space<vmem>>, %arg9: memref<128x128xf32, #tpu.memory_space<vmem>>, %arg10: memref<10112x128xf32, #tpu.memory_space<vmem_shared>>, %arg11: memref<!tpu.dma_semaphore, #tpu.memory_space<semaphore_mem>>) attributes {dimension_semantics = [#tpu.dimension_semantics<core_parallel>, #tpu.dimension_semantics<subcore_parallel>], iteration_bounds = array<i64: 2, 16>, scalar_prefetch = 0 : i64, scratch_operands = 5 : i64, tpu.core_type = #tpu.core_type<sc_vector_subcore>, window_params = [{transform_indices = #map}, {transform_indices = #map1}, {transform_indices = #map1}, {transform_indices = #map}, {transform_indices = #map2}]} {
    %eq3A = arith.constant 0 : i32
    %eq3A_0 = arith.cmpi eq, %arg0, %eq3A : i32
    %select_n3A = arith.constant 66 : i32
    %select_n3A_1 = arith.constant 96 : i32
    %select_n3A_2 = arith.select %eq3A_0, %select_n3A_1, %select_n3A : i32
    %mul3A = arith.constant 632 : i32
    %mul3A_3 = arith.muli %arg1, %mul3A : i32
    "tpu.region"() ({
      %run_scoped3A = tpu.sem_alloc : memref<!tpu.dma_semaphore, #tpu.memory_space<semaphore_mem>>
      %dma_start3A = arith.constant 0 : i32
      %dma_start3A_14 = tpu.memref_slice %arg10[%mul3A_3, %dma_start3A] : memref<10112x128xf32, #tpu.memory_space<vmem_shared>> -> memref<632x128xf32, #tpu.memory_space<vmem_shared>>
      %dma_start3A_15 = arith.constant 0 : i32
      %dma_start3A_16 = tpu.memref_slice %arg5[%mul3A_3, %dma_start3A_15] : memref<10112x128xf32, #tpu.memory_space<hbm>> -> memref<632x128xf32, #tpu.memory_space<hbm>>
      tpu.enqueue_dma source(%dma_start3A_16 : memref<632x128xf32, #tpu.memory_space<hbm>>) target(%dma_start3A_14 : memref<632x128xf32, #tpu.memory_space<vmem_shared>>) target_semaphore(%run_scoped3A : memref<!tpu.dma_semaphore, #tpu.memory_space<semaphore_mem>>)
      %dma_wait3A = arith.constant 0 : i32
      %dma_wait3A_17 = tpu.memref_slice %arg10[%mul3A_3, %dma_wait3A] : memref<10112x128xf32, #tpu.memory_space<vmem_shared>> -> memref<632x128xf32, #tpu.memory_space<vmem_shared>>
      %dma_wait3A_18 = arith.constant 0 : i32
      %dma_wait3A_19 = tpu.memref_slice %arg5[%mul3A_3, %dma_wait3A_18] : memref<10112x128xf32, #tpu.memory_space<hbm>> -> memref<632x128xf32, #tpu.memory_space<hbm>>
      tpu.wait_dma2 semaphore(%run_scoped3A : memref<!tpu.dma_semaphore, #tpu.memory_space<semaphore_mem>>) src(%dma_wait3A_19 : memref<632x128xf32, #tpu.memory_space<hbm>>) dst(%dma_wait3A_17 : memref<632x128xf32, #tpu.memory_space<vmem_shared>>)
      tpu.yield
    }) : () -> ()
    "tpu.region"() ({
      %run_scoped3A = tpu.sem_alloc : memref<!tpu.dma_semaphore, #tpu.memory_space<semaphore_mem>>
      %dma_start3A = arith.constant 0 : i32
      %dma_start3A_14 = arith.constant 0 : i32
      %dma_start3A_15 = tpu.memref_slice %arg3[%arg0, %arg1, %dma_start3A, %dma_start3A_14] : memref<2x16x96x128xi32, #tpu.memory_space<hbm>> -> memref<1x1x96x128xi32, #tpu.memory_space<hbm>>
      %dma_start3A_16 = tpu.memref_squeeze %dma_start3A_15 : memref<1x1x96x128xi32, #tpu.memory_space<hbm>> -> memref<96x128xi32, #tpu.memory_space<hbm>>
      %dma_start3A_17 = arith.constant 0 : i32
      %dma_start3A_18 = arith.constant 0 : i32
      %dma_start3A_19 = tpu.memref_slice %arg3[%arg0, %arg1, %dma_start3A_17, %dma_start3A_18] : memref<2x16x96x128xi32, #tpu.memory_space<hbm>> -> memref<1x1x96x128xi32, #tpu.memory_space<hbm>>
      %dma_start3A_20 = tpu.memref_squeeze %dma_start3A_19 : memref<1x1x96x128xi32, #tpu.memory_space<hbm>> -> memref<96x128xi32, #tpu.memory_space<hbm>>
      tpu.enqueue_dma source(%dma_start3A_20 : memref<96x128xi32, #tpu.memory_space<hbm>>) target(%arg7 : memref<96x128xi32, #tpu.memory_space<vmem>>) target_semaphore(%run_scoped3A : memref<!tpu.dma_semaphore, #tpu.memory_space<semaphore_mem>>)
      %dma_wait3A = arith.constant 0 : i32
      %dma_wait3A_21 = arith.constant 0 : i32
      %dma_wait3A_22 = tpu.memref_slice %arg3[%arg0, %arg1, %dma_wait3A, %dma_wait3A_21] : memref<2x16x96x128xi32, #tpu.memory_space<hbm>> -> memref<1x1x96x128xi32, #tpu.memory_space<hbm>>
      %dma_wait3A_23 = tpu.memref_squeeze %dma_wait3A_22 : memref<1x1x96x128xi32, #tpu.memory_space<hbm>> -> memref<96x128xi32, #tpu.memory_space<hbm>>
      %dma_wait3A_24 = arith.constant 0 : i32
      %dma_wait3A_25 = arith.constant 0 : i32
      %dma_wait3A_26 = tpu.memref_slice %arg3[%arg0, %arg1, %dma_wait3A_24, %dma_wait3A_25] : memref<2x16x96x128xi32, #tpu.memory_space<hbm>> -> memref<1x1x96x128xi32, #tpu.memory_space<hbm>>
      %dma_wait3A_27 = tpu.memref_squeeze %dma_wait3A_26 : memref<1x1x96x128xi32, #tpu.memory_space<hbm>> -> memref<96x128xi32, #tpu.memory_space<hbm>>
      tpu.wait_dma2 semaphore(%run_scoped3A : memref<!tpu.dma_semaphore, #tpu.memory_space<semaphore_mem>>) src(%dma_wait3A_27 : memref<96x128xi32, #tpu.memory_space<hbm>>) dst(%arg7 : memref<96x128xi32, #tpu.memory_space<vmem>>)
      tpu.yield
    }) : () -> ()
    "tpu.region"() ({
      %run_scoped3A = tpu.sem_alloc : memref<!tpu.dma_semaphore, #tpu.memory_space<semaphore_mem>>
      %dma_start3A = arith.constant 0 : i32
      %dma_start3A_14 = arith.constant 0 : i32
      %dma_start3A_15 = tpu.memref_slice %arg4[%arg0, %arg1, %dma_start3A, %dma_start3A_14] : memref<2x16x96x128xi32, #tpu.memory_space<hbm>> -> memref<1x1x96x128xi32, #tpu.memory_space<hbm>>
      %dma_start3A_16 = tpu.memref_squeeze %dma_start3A_15 : memref<1x1x96x128xi32, #tpu.memory_space<hbm>> -> memref<96x128xi32, #tpu.memory_space<hbm>>
      %dma_start3A_17 = arith.constant 0 : i32
      %dma_start3A_18 = arith.constant 0 : i32
      %dma_start3A_19 = tpu.memref_slice %arg4[%arg0, %arg1, %dma_start3A_17, %dma_start3A_18] : memref<2x16x96x128xi32, #tpu.memory_space<hbm>> -> memref<1x1x96x128xi32, #tpu.memory_space<hbm>>
      %dma_start3A_20 = tpu.memref_squeeze %dma_start3A_19 : memref<1x1x96x128xi32, #tpu.memory_space<hbm>> -> memref<96x128xi32, #tpu.memory_space<hbm>>
      tpu.enqueue_dma source(%dma_start3A_20 : memref<96x128xi32, #tpu.memory_space<hbm>>) target(%arg8 : memref<96x128xi32, #tpu.memory_space<vmem>>) target_semaphore(%run_scoped3A : memref<!tpu.dma_semaphore, #tpu.memory_space<semaphore_mem>>)
      %dma_wait3A = arith.constant 0 : i32
      %dma_wait3A_21 = arith.constant 0 : i32
      %dma_wait3A_22 = tpu.memref_slice %arg4[%arg0, %arg1, %dma_wait3A, %dma_wait3A_21] : memref<2x16x96x128xi32, #tpu.memory_space<hbm>> -> memref<1x1x96x128xi32, #tpu.memory_space<hbm>>
      %dma_wait3A_23 = tpu.memref_squeeze %dma_wait3A_22 : memref<1x1x96x128xi32, #tpu.memory_space<hbm>> -> memref<96x128xi32, #tpu.memory_space<hbm>>
      %dma_wait3A_24 = arith.constant 0 : i32
      %dma_wait3A_25 = arith.constant 0 : i32
      %dma_wait3A_26 = tpu.memref_slice %arg4[%arg0, %arg1, %dma_wait3A_24, %dma_wait3A_25] : memref<2x16x96x128xi32, #tpu.memory_space<hbm>> -> memref<1x1x96x128xi32, #tpu.memory_space<hbm>>
      %dma_wait3A_27 = tpu.memref_squeeze %dma_wait3A_26 : memref<1x1x96x128xi32, #tpu.memory_space<hbm>> -> memref<96x128xi32, #tpu.memory_space<hbm>>
      tpu.wait_dma2 semaphore(%run_scoped3A : memref<!tpu.dma_semaphore, #tpu.memory_space<semaphore_mem>>) src(%dma_wait3A_27 : memref<96x128xi32, #tpu.memory_space<hbm>>) dst(%arg8 : memref<96x128xi32, #tpu.memory_space<vmem>>)
      tpu.yield
    }) : () -> ()
    %barrier3A = arith.constant 0 : index
    tpu.barrier barrier_id(%barrier3A)
    %while3A = arith.constant 0 : i32
    %while3A_4 = arith.constant 0 : i32
    %while3A_5 = arith.subi %select_n3A_2, %while3A_4 : i32
    %while3A_6 = arith.addi %while3A_4, %while3A_5 : i32
    %while3A_7 = arith.constant 1 : i32
    %while3A_8 = arith.divsi %while3A_5, %while3A_7 : i32
    %while3A_9 = arith.muli %while3A_8, %while3A_7 : i32
    %while3A_10 = arith.addi %while3A_4, %while3A_9 : i32
    %while3A_11 = arith.constant 1 : i32
    scf.for %while3A_14 = %while3A_4 to %while3A_10 step %while3A_11  : i32 {
      %dma_start3A = arith.constant 0 : i32
      %dma_start3A_15 = tpu.memref_slice %arg7[%while3A_14, %dma_start3A] : memref<96x128xi32, #tpu.memory_space<vmem>> -> memref<1x128xi32, #tpu.memory_space<vmem>>
      %dma_start3A_16 = tpu.memref_squeeze %dma_start3A_15 : memref<1x128xi32, #tpu.memory_space<vmem>> -> memref<128xi32, #tpu.memory_space<vmem>>
      %dma_start3A_17 = arith.constant 0 : i32
      %dma_start3A_18 = arith.constant 0 : i32
      %dma_start3A_19 = tpu.memref_slice %arg2[%dma_start3A_17, %dma_start3A_18] : memref<10000x128xf32, #tpu.memory_space<hbm>> -> memref<10000x128xf32, #tpu.memory_space<hbm>>
      tpu.enqueue_indirect_dma source(%dma_start3A_19 : memref<10000x128xf32, #tpu.memory_space<hbm>>) target(%arg9 : memref<128x128xf32, #tpu.memory_space<vmem>>) offsets(%dma_start3A_16 : memref<128xi32, #tpu.memory_space<vmem>>) semaphore(%arg11 : memref<!tpu.dma_semaphore, #tpu.memory_space<semaphore_mem>>)
      %dma_wait3A = arith.constant 0 : i32
      %dma_wait3A_20 = tpu.memref_slice %arg7[%while3A_14, %dma_wait3A] : memref<96x128xi32, #tpu.memory_space<vmem>> -> memref<1x128xi32, #tpu.memory_space<vmem>>
      %dma_wait3A_21 = tpu.memref_squeeze %dma_wait3A_20 : memref<1x128xi32, #tpu.memory_space<vmem>> -> memref<128xi32, #tpu.memory_space<vmem>>
      %dma_wait3A_22 = arith.constant 0 : i32
      %dma_wait3A_23 = arith.constant 0 : i32
      %dma_wait3A_24 = tpu.memref_slice %arg2[%dma_wait3A_22, %dma_wait3A_23] : memref<10000x128xf32, #tpu.memory_space<hbm>> -> memref<10000x128xf32, #tpu.memory_space<hbm>>
      tpu.wait_indirect_dma semaphore(%arg11 : memref<!tpu.dma_semaphore, #tpu.memory_space<semaphore_mem>>) src(%dma_wait3A_24 : memref<10000x128xf32, #tpu.memory_space<hbm>>) dst(%arg9 : memref<128x128xf32, #tpu.memory_space<vmem>>)
      "tpu.region"() ({
        %run_scoped3A = tpu.sem_alloc : memref<!tpu.dma_semaphore, #tpu.memory_space<semaphore_mem>>
        %dma_start3A_25 = arith.constant 0 : i32
        %dma_start3A_26 = tpu.memref_slice %arg8[%while3A_14, %dma_start3A_25] : memref<96x128xi32, #tpu.memory_space<vmem>> -> memref<1x128xi32, #tpu.memory_space<vmem>>
        %dma_start3A_27 = tpu.memref_squeeze %dma_start3A_26 : memref<1x128xi32, #tpu.memory_space<vmem>> -> memref<128xi32, #tpu.memory_space<vmem>>
        %dma_start3A_28 = arith.constant 0 : i32
        %dma_start3A_29 = arith.constant 0 : i32
        %dma_start3A_30 = tpu.memref_slice %arg10[%dma_start3A_28, %dma_start3A_29] : memref<10112x128xf32, #tpu.memory_space<vmem_shared>> -> memref<10112x128xf32, #tpu.memory_space<vmem_shared>>
        tpu.enqueue_indirect_dma source(%arg9 : memref<128x128xf32, #tpu.memory_space<vmem>>) target(%dma_start3A_30 : memref<10112x128xf32, #tpu.memory_space<vmem_shared>>) offsets(%dma_start3A_27 : memref<128xi32, #tpu.memory_space<vmem>>) semaphore(%run_scoped3A : memref<!tpu.dma_semaphore, #tpu.memory_space<semaphore_mem>>) {add = true}
        %dma_wait3A_31 = arith.constant 0 : i32
        %dma_wait3A_32 = tpu.memref_slice %arg8[%while3A_14, %dma_wait3A_31] : memref<96x128xi32, #tpu.memory_space<vmem>> -> memref<1x128xi32, #tpu.memory_space<vmem>>
        %dma_wait3A_33 = tpu.memref_squeeze %dma_wait3A_32 : memref<1x128xi32, #tpu.memory_space<vmem>> -> memref<128xi32, #tpu.memory_space<vmem>>
        %dma_wait3A_34 = arith.constant 0 : i32
        %dma_wait3A_35 = arith.constant 0 : i32
        %dma_wait3A_36 = tpu.memref_slice %arg10[%dma_wait3A_34, %dma_wait3A_35] : memref<10112x128xf32, #tpu.memory_space<vmem_shared>> -> memref<10112x128xf32, #tpu.memory_space<vmem_shared>>
        tpu.wait_indirect_dma semaphore(%run_scoped3A : memref<!tpu.dma_semaphore, #tpu.memory_space<semaphore_mem>>) src(%arg9 : memref<128x128xf32, #tpu.memory_space<vmem>>) dst(%dma_wait3A_36 : memref<10112x128xf32, #tpu.memory_space<vmem_shared>>)
        tpu.yield
      }) : () -> ()
    }
    %while3A_12 = arith.constant 1 : i32
    scf.for %while3A_14 = %while3A_10 to %while3A_6 step %while3A_12  : i32 {
      %dma_start3A = arith.constant 0 : i32
      %dma_start3A_15 = tpu.memref_slice %arg7[%while3A_14, %dma_start3A] : memref<96x128xi32, #tpu.memory_space<vmem>> -> memref<1x128xi32, #tpu.memory_space<vmem>>
      %dma_start3A_16 = tpu.memref_squeeze %dma_start3A_15 : memref<1x128xi32, #tpu.memory_space<vmem>> -> memref<128xi32, #tpu.memory_space<vmem>>
      %dma_start3A_17 = arith.constant 0 : i32
      %dma_start3A_18 = arith.constant 0 : i32
      %dma_start3A_19 = tpu.memref_slice %arg2[%dma_start3A_17, %dma_start3A_18] : memref<10000x128xf32, #tpu.memory_space<hbm>> -> memref<10000x128xf32, #tpu.memory_space<hbm>>
      tpu.enqueue_indirect_dma source(%dma_start3A_19 : memref<10000x128xf32, #tpu.memory_space<hbm>>) target(%arg9 : memref<128x128xf32, #tpu.memory_space<vmem>>) offsets(%dma_start3A_16 : memref<128xi32, #tpu.memory_space<vmem>>) semaphore(%arg11 : memref<!tpu.dma_semaphore, #tpu.memory_space<semaphore_mem>>)
      %dma_wait3A = arith.constant 0 : i32
      %dma_wait3A_20 = tpu.memref_slice %arg7[%while3A_14, %dma_wait3A] : memref<96x128xi32, #tpu.memory_space<vmem>> -> memref<1x128xi32, #tpu.memory_space<vmem>>
      %dma_wait3A_21 = tpu.memref_squeeze %dma_wait3A_20 : memref<1x128xi32, #tpu.memory_space<vmem>> -> memref<128xi32, #tpu.memory_space<vmem>>
      %dma_wait3A_22 = arith.constant 0 : i32
      %dma_wait3A_23 = arith.constant 0 : i32
      %dma_wait3A_24 = tpu.memref_slice %arg2[%dma_wait3A_22, %dma_wait3A_23] : memref<10000x128xf32, #tpu.memory_space<hbm>> -> memref<10000x128xf32, #tpu.memory_space<hbm>>
      tpu.wait_indirect_dma semaphore(%arg11 : memref<!tpu.dma_semaphore, #tpu.memory_space<semaphore_mem>>) src(%dma_wait3A_24 : memref<10000x128xf32, #tpu.memory_space<hbm>>) dst(%arg9 : memref<128x128xf32, #tpu.memory_space<vmem>>)
      "tpu.region"() ({
        %run_scoped3A = tpu.sem_alloc : memref<!tpu.dma_semaphore, #tpu.memory_space<semaphore_mem>>
        %dma_start3A_25 = arith.constant 0 : i32
        %dma_start3A_26 = tpu.memref_slice %arg8[%while3A_14, %dma_start3A_25] : memref<96x128xi32, #tpu.memory_space<vmem>> -> memref<1x128xi32, #tpu.memory_space<vmem>>
        %dma_start3A_27 = tpu.memref_squeeze %dma_start3A_26 : memref<1x128xi32, #tpu.memory_space<vmem>> -> memref<128xi32, #tpu.memory_space<vmem>>
        %dma_start3A_28 = arith.constant 0 : i32
        %dma_start3A_29 = arith.constant 0 : i32
        %dma_start3A_30 = tpu.memref_slice %arg10[%dma_start3A_28, %dma_start3A_29] : memref<10112x128xf32, #tpu.memory_space<vmem_shared>> -> memref<10112x128xf32, #tpu.memory_space<vmem_shared>>
        tpu.enqueue_indirect_dma source(%arg9 : memref<128x128xf32, #tpu.memory_space<vmem>>) target(%dma_start3A_30 : memref<10112x128xf32, #tpu.memory_space<vmem_shared>>) offsets(%dma_start3A_27 : memref<128xi32, #tpu.memory_space<vmem>>) semaphore(%run_scoped3A : memref<!tpu.dma_semaphore, #tpu.memory_space<semaphore_mem>>) {add = true}
        %dma_wait3A_31 = arith.constant 0 : i32
        %dma_wait3A_32 = tpu.memref_slice %arg8[%while3A_14, %dma_wait3A_31] : memref<96x128xi32, #tpu.memory_space<vmem>> -> memref<1x128xi32, #tpu.memory_space<vmem>>
        %dma_wait3A_33 = tpu.memref_squeeze %dma_wait3A_32 : memref<1x128xi32, #tpu.memory_space<vmem>> -> memref<128xi32, #tpu.memory_space<vmem>>
        %dma_wait3A_34 = arith.constant 0 : i32
        %dma_wait3A_35 = arith.constant 0 : i32
        %dma_wait3A_36 = tpu.memref_slice %arg10[%dma_wait3A_34, %dma_wait3A_35] : memref<10112x128xf32, #tpu.memory_space<vmem_shared>> -> memref<10112x128xf32, #tpu.memory_space<vmem_shared>>
        tpu.wait_indirect_dma semaphore(%run_scoped3A : memref<!tpu.dma_semaphore, #tpu.memory_space<semaphore_mem>>) src(%arg9 : memref<128x128xf32, #tpu.memory_space<vmem>>) dst(%dma_wait3A_36 : memref<10112x128xf32, #tpu.memory_space<vmem_shared>>)
        tpu.yield
      }) : () -> ()
    }
    %barrier3A_13 = arith.constant 0 : index
    tpu.barrier barrier_id(%barrier3A_13)
    "tpu.region"() ({
      %run_scoped3A = tpu.sem_alloc : memref<!tpu.dma_semaphore, #tpu.memory_space<semaphore_mem>>
      %dma_start3A = arith.constant 0 : i32
      %dma_start3A_14 = tpu.memref_slice %arg6[%arg0, %mul3A_3, %dma_start3A] : memref<2x10112x128xf32, #tpu.memory_space<hbm>> -> memref<1x632x128xf32, #tpu.memory_space<hbm>>
      %dma_start3A_15 = tpu.memref_squeeze %dma_start3A_14 : memref<1x632x128xf32, #tpu.memory_space<hbm>> -> memref<632x128xf32, #tpu.memory_space<hbm>>
      %dma_start3A_16 = arith.constant 0 : i32
      %dma_start3A_17 = tpu.memref_slice %arg10[%mul3A_3, %dma_start3A_16] : memref<10112x128xf32, #tpu.memory_space<vmem_shared>> -> memref<632x128xf32, #tpu.memory_space<vmem_shared>>
      tpu.enqueue_dma source(%dma_start3A_17 : memref<632x128xf32, #tpu.memory_space<vmem_shared>>) target(%dma_start3A_15 : memref<632x128xf32, #tpu.memory_space<hbm>>) target_semaphore(%run_scoped3A : memref<!tpu.dma_semaphore, #tpu.memory_space<semaphore_mem>>)
      %dma_wait3A = arith.constant 0 : i32
      %dma_wait3A_18 = tpu.memref_slice %arg6[%arg0, %mul3A_3, %dma_wait3A] : memref<2x10112x128xf32, #tpu.memory_space<hbm>> -> memref<1x632x128xf32, #tpu.memory_space<hbm>>
      %dma_wait3A_19 = tpu.memref_squeeze %dma_wait3A_18 : memref<1x632x128xf32, #tpu.memory_space<hbm>> -> memref<632x128xf32, #tpu.memory_space<hbm>>
      %dma_wait3A_20 = arith.constant 0 : i32
      %dma_wait3A_21 = tpu.memref_slice %arg10[%mul3A_3, %dma_wait3A_20] : memref<10112x128xf32, #tpu.memory_space<vmem_shared>> -> memref<632x128xf32, #tpu.memory_space<vmem_shared>>
      tpu.wait_dma2 semaphore(%run_scoped3A : memref<!tpu.dma_semaphore, #tpu.memory_space<semaphore_mem>>) src(%dma_wait3A_21 : memref<632x128xf32, #tpu.memory_space<vmem_shared>>) dst(%dma_wait3A_19 : memref<632x128xf32, #tpu.memory_space<hbm>>)
      tpu.yield
    }) : () -> ()
    return
  }
}

#map = affine_map<(d0, d1) -> (0, 0)>
#map1 = affine_map<(d0, d1) -> (0, 0, 0, 0)>
#map2 = affine_map<(d0, d1) -> (0, 0, 0)>
module attributes {stable_mosaic.version = 14 : i64} {
  func.func @_sc_prop_body(%arg0: i32, %arg1: i32, %arg2: memref<10000x128xf32, #tpu.memory_space<hbm>>, %arg3: memref<2x16x96x128xi32, #tpu.memory_space<hbm>>, %arg4: memref<2x16x96x128xi32, #tpu.memory_space<hbm>>, %arg5: memref<10112x128xf32, #tpu.memory_space<hbm>>, %arg6: memref<2x10112x128xf32, #tpu.memory_space<hbm>>, %arg7: memref<96x128xi32, #tpu.memory_space<vmem>>, %arg8: memref<96x128xi32, #tpu.memory_space<vmem>>, %arg9: memref<128x128xf32, #tpu.memory_space<vmem>>, %arg10: memref<10112x128xf32, #tpu.memory_space<vmem_shared>>, %arg11: memref<!tpu.dma_semaphore, #tpu.memory_space<semaphore_mem>>) attributes {dimension_semantics = [#tpu.dimension_semantics<core_parallel>, #tpu.dimension_semantics<subcore_parallel>], iteration_bounds = array<i64: 2, 16>, scalar_prefetch = 0 : i64, scratch_operands = 5 : i64, tpu.core_type = #tpu.core_type<sc_vector_subcore>, window_params = [{transform_indices = #map}, {transform_indices = #map1}, {transform_indices = #map1}, {transform_indices = #map}, {transform_indices = #map2}]} {
    %eq3A = arith.constant 0 : i32
    %eq3A_0 = arith.cmpi eq, %arg0, %eq3A : i32
    %select_n3A = arith.constant 66 : i32
    %select_n3A_1 = arith.constant 96 : i32
    %select_n3A_2 = arith.select %eq3A_0, %select_n3A_1, %select_n3A : i32
    %mul3A = arith.constant 632 : i32
    %mul3A_3 = arith.muli %arg1, %mul3A : i32
    "tpu.region"() ({
      %run_scoped3A = tpu.sem_alloc : memref<!tpu.dma_semaphore, #tpu.memory_space<semaphore_mem>>
      %dma_start3A = arith.constant 0 : i32
      %dma_start3A_14 = tpu.memref_slice %arg10[%mul3A_3, %dma_start3A] : memref<10112x128xf32, #tpu.memory_space<vmem_shared>> -> memref<632x128xf32, #tpu.memory_space<vmem_shared>>
      %dma_start3A_15 = arith.constant 0 : i32
      %dma_start3A_16 = tpu.memref_slice %arg5[%mul3A_3, %dma_start3A_15] : memref<10112x128xf32, #tpu.memory_space<hbm>> -> memref<632x128xf32, #tpu.memory_space<hbm>>
      tpu.enqueue_dma source(%dma_start3A_16 : memref<632x128xf32, #tpu.memory_space<hbm>>) target(%dma_start3A_14 : memref<632x128xf32, #tpu.memory_space<vmem_shared>>) target_semaphore(%run_scoped3A : memref<!tpu.dma_semaphore, #tpu.memory_space<semaphore_mem>>)
      %dma_wait3A = arith.constant 0 : i32
      %dma_wait3A_17 = tpu.memref_slice %arg10[%mul3A_3, %dma_wait3A] : memref<10112x128xf32, #tpu.memory_space<vmem_shared>> -> memref<632x128xf32, #tpu.memory_space<vmem_shared>>
      %dma_wait3A_18 = arith.constant 0 : i32
      %dma_wait3A_19 = tpu.memref_slice %arg5[%mul3A_3, %dma_wait3A_18] : memref<10112x128xf32, #tpu.memory_space<hbm>> -> memref<632x128xf32, #tpu.memory_space<hbm>>
      tpu.wait_dma2 semaphore(%run_scoped3A : memref<!tpu.dma_semaphore, #tpu.memory_space<semaphore_mem>>) src(%dma_wait3A_19 : memref<632x128xf32, #tpu.memory_space<hbm>>) dst(%dma_wait3A_17 : memref<632x128xf32, #tpu.memory_space<vmem_shared>>)
      tpu.yield
    }) : () -> ()
    "tpu.region"() ({
      %run_scoped3A = tpu.sem_alloc : memref<!tpu.dma_semaphore, #tpu.memory_space<semaphore_mem>>
      %dma_start3A = arith.constant 0 : i32
      %dma_start3A_14 = arith.constant 0 : i32
      %dma_start3A_15 = tpu.memref_slice %arg3[%arg0, %arg1, %dma_start3A, %dma_start3A_14] : memref<2x16x96x128xi32, #tpu.memory_space<hbm>> -> memref<1x1x96x128xi32, #tpu.memory_space<hbm>>
      %dma_start3A_16 = tpu.memref_squeeze %dma_start3A_15 : memref<1x1x96x128xi32, #tpu.memory_space<hbm>> -> memref<96x128xi32, #tpu.memory_space<hbm>>
      %dma_start3A_17 = arith.constant 0 : i32
      %dma_start3A_18 = arith.constant 0 : i32
      %dma_start3A_19 = tpu.memref_slice %arg3[%arg0, %arg1, %dma_start3A_17, %dma_start3A_18] : memref<2x16x96x128xi32, #tpu.memory_space<hbm>> -> memref<1x1x96x128xi32, #tpu.memory_space<hbm>>
      %dma_start3A_20 = tpu.memref_squeeze %dma_start3A_19 : memref<1x1x96x128xi32, #tpu.memory_space<hbm>> -> memref<96x128xi32, #tpu.memory_space<hbm>>
      tpu.enqueue_dma source(%dma_start3A_20 : memref<96x128xi32, #tpu.memory_space<hbm>>) target(%arg7 : memref<96x128xi32, #tpu.memory_space<vmem>>) target_semaphore(%run_scoped3A : memref<!tpu.dma_semaphore, #tpu.memory_space<semaphore_mem>>)
      %dma_wait3A = arith.constant 0 : i32
      %dma_wait3A_21 = arith.constant 0 : i32
      %dma_wait3A_22 = tpu.memref_slice %arg3[%arg0, %arg1, %dma_wait3A, %dma_wait3A_21] : memref<2x16x96x128xi32, #tpu.memory_space<hbm>> -> memref<1x1x96x128xi32, #tpu.memory_space<hbm>>
      %dma_wait3A_23 = tpu.memref_squeeze %dma_wait3A_22 : memref<1x1x96x128xi32, #tpu.memory_space<hbm>> -> memref<96x128xi32, #tpu.memory_space<hbm>>
      %dma_wait3A_24 = arith.constant 0 : i32
      %dma_wait3A_25 = arith.constant 0 : i32
      %dma_wait3A_26 = tpu.memref_slice %arg3[%arg0, %arg1, %dma_wait3A_24, %dma_wait3A_25] : memref<2x16x96x128xi32, #tpu.memory_space<hbm>> -> memref<1x1x96x128xi32, #tpu.memory_space<hbm>>
      %dma_wait3A_27 = tpu.memref_squeeze %dma_wait3A_26 : memref<1x1x96x128xi32, #tpu.memory_space<hbm>> -> memref<96x128xi32, #tpu.memory_space<hbm>>
      tpu.wait_dma2 semaphore(%run_scoped3A : memref<!tpu.dma_semaphore, #tpu.memory_space<semaphore_mem>>) src(%dma_wait3A_27 : memref<96x128xi32, #tpu.memory_space<hbm>>) dst(%arg7 : memref<96x128xi32, #tpu.memory_space<vmem>>)
      tpu.yield
    }) : () -> ()
    "tpu.region"() ({
      %run_scoped3A = tpu.sem_alloc : memref<!tpu.dma_semaphore, #tpu.memory_space<semaphore_mem>>
      %dma_start3A = arith.constant 0 : i32
      %dma_start3A_14 = arith.constant 0 : i32
      %dma_start3A_15 = tpu.memref_slice %arg4[%arg0, %arg1, %dma_start3A, %dma_start3A_14] : memref<2x16x96x128xi32, #tpu.memory_space<hbm>> -> memref<1x1x96x128xi32, #tpu.memory_space<hbm>>
      %dma_start3A_16 = tpu.memref_squeeze %dma_start3A_15 : memref<1x1x96x128xi32, #tpu.memory_space<hbm>> -> memref<96x128xi32, #tpu.memory_space<hbm>>
      %dma_start3A_17 = arith.constant 0 : i32
      %dma_start3A_18 = arith.constant 0 : i32
      %dma_start3A_19 = tpu.memref_slice %arg4[%arg0, %arg1, %dma_start3A_17, %dma_start3A_18] : memref<2x16x96x128xi32, #tpu.memory_space<hbm>> -> memref<1x1x96x128xi32, #tpu.memory_space<hbm>>
      %dma_start3A_20 = tpu.memref_squeeze %dma_start3A_19 : memref<1x1x96x128xi32, #tpu.memory_space<hbm>> -> memref<96x128xi32, #tpu.memory_space<hbm>>
      tpu.enqueue_dma source(%dma_start3A_20 : memref<96x128xi32, #tpu.memory_space<hbm>>) target(%arg8 : memref<96x128xi32, #tpu.memory_space<vmem>>) target_semaphore(%run_scoped3A : memref<!tpu.dma_semaphore, #tpu.memory_space<semaphore_mem>>)
      %dma_wait3A = arith.constant 0 : i32
      %dma_wait3A_21 = arith.constant 0 : i32
      %dma_wait3A_22 = tpu.memref_slice %arg4[%arg0, %arg1, %dma_wait3A, %dma_wait3A_21] : memref<2x16x96x128xi32, #tpu.memory_space<hbm>> -> memref<1x1x96x128xi32, #tpu.memory_space<hbm>>
      %dma_wait3A_23 = tpu.memref_squeeze %dma_wait3A_22 : memref<1x1x96x128xi32, #tpu.memory_space<hbm>> -> memref<96x128xi32, #tpu.memory_space<hbm>>
      %dma_wait3A_24 = arith.constant 0 : i32
      %dma_wait3A_25 = arith.constant 0 : i32
      %dma_wait3A_26 = tpu.memref_slice %arg4[%arg0, %arg1, %dma_wait3A_24, %dma_wait3A_25] : memref<2x16x96x128xi32, #tpu.memory_space<hbm>> -> memref<1x1x96x128xi32, #tpu.memory_space<hbm>>
      %dma_wait3A_27 = tpu.memref_squeeze %dma_wait3A_26 : memref<1x1x96x128xi32, #tpu.memory_space<hbm>> -> memref<96x128xi32, #tpu.memory_space<hbm>>
      tpu.wait_dma2 semaphore(%run_scoped3A : memref<!tpu.dma_semaphore, #tpu.memory_space<semaphore_mem>>) src(%dma_wait3A_27 : memref<96x128xi32, #tpu.memory_space<hbm>>) dst(%arg8 : memref<96x128xi32, #tpu.memory_space<vmem>>)
      tpu.yield
    }) : () -> ()
    %barrier3A = arith.constant 0 : index
    tpu.barrier barrier_id(%barrier3A)
    %while3A = arith.constant 0 : i32
    %while3A_4 = arith.constant 0 : i32
    %while3A_5 = arith.subi %select_n3A_2, %while3A_4 : i32
    %while3A_6 = arith.addi %while3A_4, %while3A_5 : i32
    %while3A_7 = arith.constant 1 : i32
    %while3A_8 = arith.divsi %while3A_5, %while3A_7 : i32
    %while3A_9 = arith.muli %while3A_8, %while3A_7 : i32
    %while3A_10 = arith.addi %while3A_4, %while3A_9 : i32
    %while3A_11 = arith.constant 1 : i32
    scf.for %while3A_14 = %while3A_4 to %while3A_10 step %while3A_11  : i32 {
      %dma_start3A = arith.constant 0 : i32
      %dma_start3A_15 = tpu.memref_slice %arg7[%while3A_14, %dma_start3A] : memref<96x128xi32, #tpu.memory_space<vmem>> -> memref<1x128xi32, #tpu.memory_space<vmem>>
      %dma_start3A_16 = tpu.memref_squeeze %dma_start3A_15 : memref<1x128xi32, #tpu.memory_space<vmem>> -> memref<128xi32, #tpu.memory_space<vmem>>
      %dma_start3A_17 = arith.constant 0 : i32
      %dma_start3A_18 = arith.constant 0 : i32
      %dma_start3A_19 = tpu.memref_slice %arg2[%dma_start3A_17, %dma_start3A_18] : memref<10000x128xf32, #tpu.memory_space<hbm>> -> memref<10000x128xf32, #tpu.memory_space<hbm>>
      tpu.enqueue_indirect_dma source(%dma_start3A_19 : memref<10000x128xf32, #tpu.memory_space<hbm>>) target(%arg9 : memref<128x128xf32, #tpu.memory_space<vmem>>) offsets(%dma_start3A_16 : memref<128xi32, #tpu.memory_space<vmem>>) semaphore(%arg11 : memref<!tpu.dma_semaphore, #tpu.memory_space<semaphore_mem>>)
      %dma_wait3A = arith.constant 0 : i32
      %dma_wait3A_20 = tpu.memref_slice %arg7[%while3A_14, %dma_wait3A] : memref<96x128xi32, #tpu.memory_space<vmem>> -> memref<1x128xi32, #tpu.memory_space<vmem>>
      %dma_wait3A_21 = tpu.memref_squeeze %dma_wait3A_20 : memref<1x128xi32, #tpu.memory_space<vmem>> -> memref<128xi32, #tpu.memory_space<vmem>>
      %dma_wait3A_22 = arith.constant 0 : i32
      %dma_wait3A_23 = arith.constant 0 : i32
      %dma_wait3A_24 = tpu.memref_slice %arg2[%dma_wait3A_22, %dma_wait3A_23] : memref<10000x128xf32, #tpu.memory_space<hbm>> -> memref<10000x128xf32, #tpu.memory_space<hbm>>
      tpu.wait_indirect_dma semaphore(%arg11 : memref<!tpu.dma_semaphore, #tpu.memory_space<semaphore_mem>>) src(%dma_wait3A_24 : memref<10000x128xf32, #tpu.memory_space<hbm>>) dst(%arg9 : memref<128x128xf32, #tpu.memory_space<vmem>>)
      "tpu.region"() ({
        %run_scoped3A = tpu.sem_alloc : memref<!tpu.dma_semaphore, #tpu.memory_space<semaphore_mem>>
        %dma_start3A_25 = arith.constant 0 : i32
        %dma_start3A_26 = tpu.memref_slice %arg8[%while3A_14, %dma_start3A_25] : memref<96x128xi32, #tpu.memory_space<vmem>> -> memref<1x128xi32, #tpu.memory_space<vmem>>
        %dma_start3A_27 = tpu.memref_squeeze %dma_start3A_26 : memref<1x128xi32, #tpu.memory_space<vmem>> -> memref<128xi32, #tpu.memory_space<vmem>>
        %dma_start3A_28 = arith.constant 0 : i32
        %dma_start3A_29 = arith.constant 0 : i32
        %dma_start3A_30 = tpu.memref_slice %arg10[%dma_start3A_28, %dma_start3A_29] : memref<10112x128xf32, #tpu.memory_space<vmem_shared>> -> memref<10112x128xf32, #tpu.memory_space<vmem_shared>>
        tpu.enqueue_indirect_dma source(%arg9 : memref<128x128xf32, #tpu.memory_space<vmem>>) target(%dma_start3A_30 : memref<10112x128xf32, #tpu.memory_space<vmem_shared>>) offsets(%dma_start3A_27 : memref<128xi32, #tpu.memory_space<vmem>>) semaphore(%run_scoped3A : memref<!tpu.dma_semaphore, #tpu.memory_space<semaphore_mem>>) {add = true}
        %dma_wait3A_31 = arith.constant 0 : i32
        %dma_wait3A_32 = tpu.memref_slice %arg8[%while3A_14, %dma_wait3A_31] : memref<96x128xi32, #tpu.memory_space<vmem>> -> memref<1x128xi32, #tpu.memory_space<vmem>>
        %dma_wait3A_33 = tpu.memref_squeeze %dma_wait3A_32 : memref<1x128xi32, #tpu.memory_space<vmem>> -> memref<128xi32, #tpu.memory_space<vmem>>
        %dma_wait3A_34 = arith.constant 0 : i32
        %dma_wait3A_35 = arith.constant 0 : i32
        %dma_wait3A_36 = tpu.memref_slice %arg10[%dma_wait3A_34, %dma_wait3A_35] : memref<10112x128xf32, #tpu.memory_space<vmem_shared>> -> memref<10112x128xf32, #tpu.memory_space<vmem_shared>>
        tpu.wait_indirect_dma semaphore(%run_scoped3A : memref<!tpu.dma_semaphore, #tpu.memory_space<semaphore_mem>>) src(%arg9 : memref<128x128xf32, #tpu.memory_space<vmem>>) dst(%dma_wait3A_36 : memref<10112x128xf32, #tpu.memory_space<vmem_shared>>)
        tpu.yield
      }) : () -> ()
    }
    %while3A_12 = arith.constant 1 : i32
    scf.for %while3A_14 = %while3A_10 to %while3A_6 step %while3A_12  : i32 {
      %dma_start3A = arith.constant 0 : i32
      %dma_start3A_15 = tpu.memref_slice %arg7[%while3A_14, %dma_start3A] : memref<96x128xi32, #tpu.memory_space<vmem>> -> memref<1x128xi32, #tpu.memory_space<vmem>>
      %dma_start3A_16 = tpu.memref_squeeze %dma_start3A_15 : memref<1x128xi32, #tpu.memory_space<vmem>> -> memref<128xi32, #tpu.memory_space<vmem>>
      %dma_start3A_17 = arith.constant 0 : i32
      %dma_start3A_18 = arith.constant 0 : i32
      %dma_start3A_19 = tpu.memref_slice %arg2[%dma_start3A_17, %dma_start3A_18] : memref<10000x128xf32, #tpu.memory_space<hbm>> -> memref<10000x128xf32, #tpu.memory_space<hbm>>
      tpu.enqueue_indirect_dma source(%dma_start3A_19 : memref<10000x128xf32, #tpu.memory_space<hbm>>) target(%arg9 : memref<128x128xf32, #tpu.memory_space<vmem>>) offsets(%dma_start3A_16 : memref<128xi32, #tpu.memory_space<vmem>>) semaphore(%arg11 : memref<!tpu.dma_semaphore, #tpu.memory_space<semaphore_mem>>)
      %dma_wait3A = arith.constant 0 : i32
      %dma_wait3A_20 = tpu.memref_slice %arg7[%while3A_14, %dma_wait3A] : memref<96x128xi32, #tpu.memory_space<vmem>> -> memref<1x128xi32, #tpu.memory_space<vmem>>
      %dma_wait3A_21 = tpu.memref_squeeze %dma_wait3A_20 : memref<1x128xi32, #tpu.memory_space<vmem>> -> memref<128xi32, #tpu.memory_space<vmem>>
      %dma_wait3A_22 = arith.constant 0 : i32
      %dma_wait3A_23 = arith.constant 0 : i32
      %dma_wait3A_24 = tpu.memref_slice %arg2[%dma_wait3A_22, %dma_wait3A_23] : memref<10000x128xf32, #tpu.memory_space<hbm>> -> memref<10000x128xf32, #tpu.memory_space<hbm>>
      tpu.wait_indirect_dma semaphore(%arg11 : memref<!tpu.dma_semaphore, #tpu.memory_space<semaphore_mem>>) src(%dma_wait3A_24 : memref<10000x128xf32, #tpu.memory_space<hbm>>) dst(%arg9 : memref<128x128xf32, #tpu.memory_space<vmem>>)
      "tpu.region"() ({
        %run_scoped3A = tpu.sem_alloc : memref<!tpu.dma_semaphore, #tpu.memory_space<semaphore_mem>>
        %dma_start3A_25 = arith.constant 0 : i32
        %dma_start3A_26 = tpu.memref_slice %arg8[%while3A_14, %dma_start3A_25] : memref<96x128xi32, #tpu.memory_space<vmem>> -> memref<1x128xi32, #tpu.memory_space<vmem>>
        %dma_start3A_27 = tpu.memref_squeeze %dma_start3A_26 : memref<1x128xi32, #tpu.memory_space<vmem>> -> memref<128xi32, #tpu.memory_space<vmem>>
        %dma_start3A_28 = arith.constant 0 : i32
        %dma_start3A_29 = arith.constant 0 : i32
        %dma_start3A_30 = tpu.memref_slice %arg10[%dma_start3A_28, %dma_start3A_29] : memref<10112x128xf32, #tpu.memory_space<vmem_shared>> -> memref<10112x128xf32, #tpu.memory_space<vmem_shared>>
        tpu.enqueue_indirect_dma source(%arg9 : memref<128x128xf32, #tpu.memory_space<vmem>>) target(%dma_start3A_30 : memref<10112x128xf32, #tpu.memory_space<vmem_shared>>) offsets(%dma_start3A_27 : memref<128xi32, #tpu.memory_space<vmem>>) semaphore(%run_scoped3A : memref<!tpu.dma_semaphore, #tpu.memory_space<semaphore_mem>>) {add = true}
        %dma_wait3A_31 = arith.constant 0 : i32
        %dma_wait3A_32 = tpu.memref_slice %arg8[%while3A_14, %dma_wait3A_31] : memref<96x128xi32, #tpu.memory_space<vmem>> -> memref<1x128xi32, #tpu.memory_space<vmem>>
        %dma_wait3A_33 = tpu.memref_squeeze %dma_wait3A_32 : memref<1x128xi32, #tpu.memory_space<vmem>> -> memref<128xi32, #tpu.memory_space<vmem>>
        %dma_wait3A_34 = arith.constant 0 : i32
        %dma_wait3A_35 = arith.constant 0 : i32
        %dma_wait3A_36 = tpu.memref_slice %arg10[%dma_wait3A_34, %dma_wait3A_35] : memref<10112x128xf32, #tpu.memory_space<vmem_shared>> -> memref<10112x128xf32, #tpu.memory_space<vmem_shared>>
        tpu.wait_indirect_dma semaphore(%run_scoped3A : memref<!tpu.dma_semaphore, #tpu.memory_space<semaphore_mem>>) src(%arg9 : memref<128x128xf32, #tpu.memory_space<vmem>>) dst(%dma_wait3A_36 : memref<10112x128xf32, #tpu.memory_space<vmem_shared>>)
        tpu.yield
      }) : () -> ()
    }
    %barrier3A_13 = arith.constant 0 : index
    tpu.barrier barrier_id(%barrier3A_13)
    "tpu.region"() ({
      %run_scoped3A = tpu.sem_alloc : memref<!tpu.dma_semaphore, #tpu.memory_space<semaphore_mem>>
      %dma_start3A = arith.constant 0 : i32
      %dma_start3A_14 = tpu.memref_slice %arg6[%arg0, %mul3A_3, %dma_start3A] : memref<2x10112x128xf32, #tpu.memory_space<hbm>> -> memref<1x632x128xf32, #tpu.memory_space<hbm>>
      %dma_start3A_15 = tpu.memref_squeeze %dma_start3A_14 : memref<1x632x128xf32, #tpu.memory_space<hbm>> -> memref<632x128xf32, #tpu.memory_space<hbm>>
      %dma_start3A_16 = arith.constant 0 : i32
      %dma_start3A_17 = tpu.memref_slice %arg10[%mul3A_3, %dma_start3A_16] : memref<10112x128xf32, #tpu.memory_space<vmem_shared>> -> memref<632x128xf32, #tpu.memory_space<vmem_shared>>
      tpu.enqueue_dma source(%dma_start3A_17 : memref<632x128xf32, #tpu.memory_space<vmem_shared>>) target(%dma_start3A_15 : memref<632x128xf32, #tpu.memory_space<hbm>>) target_semaphore(%run_scoped3A : memref<!tpu.dma_semaphore, #tpu.memory_space<semaphore_mem>>)
      %dma_wait3A = arith.constant 0 : i32
      %dma_wait3A_18 = tpu.memref_slice %arg6[%arg0, %mul3A_3, %dma_wait3A] : memref<2x10112x128xf32, #tpu.memory_space<hbm>> -> memref<1x632x128xf32, #tpu.memory_space<hbm>>
      %dma_wait3A_19 = tpu.memref_squeeze %dma_wait3A_18 : memref<1x632x128xf32, #tpu.memory_space<hbm>> -> memref<632x128xf32, #tpu.memory_space<hbm>>
      %dma_wait3A_20 = arith.constant 0 : i32
      %dma_wait3A_21 = tpu.memref_slice %arg10[%mul3A_3, %dma_wait3A_20] : memref<10112x128xf32, #tpu.memory_space<vmem_shared>> -> memref<632x128xf32, #tpu.memory_space<vmem_shared>>
      tpu.wait_dma2 semaphore(%run_scoped3A : memref<!tpu.dma_semaphore, #tpu.memory_space<semaphore_mem>>) src(%dma_wait3A_21 : memref<632x128xf32, #tpu.memory_space<vmem_shared>>) dst(%dma_wait3A_19 : memref<632x128xf32, #tpu.memory_space<hbm>>)
      tpu.yield
    }) : () -> ()
    return
  }
}

module attributes {stable_mosaic.version = 14 : i64} {
  func.func @_tc_in_body(%arg0: i32, %arg1: memref<2x400x128xf32, #tpu.memory_space<vmem>>, %arg2: memref<400x1xf32, #tpu.memory_space<vmem>>, %arg3: memref<400x1xf32, #tpu.memory_space<vmem>>, %arg4: memref<400x128xf32, #tpu.memory_space<vmem>>, %arg5: memref<1x128xf32, #tpu.memory_space<vmem>>, %arg6: memref<1x128xf32, #tpu.memory_space<vmem>>, %arg7: memref<1x128xf32, #tpu.memory_space<vmem>>, %arg8: memref<128x128xf32, #tpu.memory_space<vmem>>, %arg9: memref<1x128xf32, #tpu.memory_space<vmem>>, %arg10: memref<128x128xf32, #tpu.memory_space<vmem>>, %arg11: memref<400x128xf32, #tpu.memory_space<vmem>>, %arg12: memref<400x1xf32, #tpu.memory_space<vmem>>) attributes {dimension_semantics = [#tpu.dimension_semantics<arbitrary>], iteration_bounds = array<i64: 25>, scalar_prefetch = 0 : i64, scratch_operands = 0 : i64, tpu.core_type = #tpu.core_type<tc>, window_params = [{transform_indices = @transform_0, window_bounds = array<i64: 2, 400, 128>}, {transform_indices = @transform_1, window_bounds = array<i64: 400, 1>}, {transform_indices = @transform_2, window_bounds = array<i64: 400, 1>}, {transform_indices = @transform_3, window_bounds = array<i64: 400, 128>}, {pipeline_mode = #tpu.pipeline_mode<synchronous>, transform_indices = @transform_4, window_bounds = array<i64: 1, 128>}, {pipeline_mode = #tpu.pipeline_mode<synchronous>, transform_indices = @transform_5, window_bounds = array<i64: 1, 128>}, {pipeline_mode = #tpu.pipeline_mode<synchronous>, transform_indices = @transform_6, window_bounds = array<i64: 1, 128>}, {pipeline_mode = #tpu.pipeline_mode<synchronous>, transform_indices = @transform_7, window_bounds = array<i64: 128, 128>}, {pipeline_mode = #tpu.pipeline_mode<synchronous>, transform_indices = @transform_8, window_bounds = array<i64: 1, 128>}, {pipeline_mode = #tpu.pipeline_mode<synchronous>, transform_indices = @transform_9, window_bounds = array<i64: 128, 128>}, {transform_indices = @transform_10, window_bounds = array<i64: 400, 128>}, {transform_indices = @transform_11, window_bounds = array<i64: 400, 1>}]} {
    %get3A = arith.constant 0 : index
    %get3A_0 = arith.constant 0 : index
    %get3A_1 = arith.constant 0 : index
    %get3A_2 = vector.load %arg1[%get3A, %get3A_0, %get3A_1] : memref<2x400x128xf32, #tpu.memory_space<vmem>>, vector<1x400x1xf32>
    %get3A_3 = vector.shape_cast %get3A_2 : vector<1x400x1xf32> to vector<400x1xf32>
    %get3A_4 = arith.constant 1 : index
    %get3A_5 = arith.constant 0 : index
    %get3A_6 = arith.constant 0 : index
    %get3A_7 = vector.load %arg1[%get3A_4, %get3A_5, %get3A_6] : memref<2x400x128xf32, #tpu.memory_space<vmem>>, vector<1x400x1xf32>
    %get3A_8 = vector.shape_cast %get3A_7 : vector<1x400x1xf32> to vector<400x1xf32>
    %add3A = arith.addf %get3A_3, %get3A_8 : vector<400x1xf32>
    %gt3A = arith.constant 0.000000e+00 : f32
    %gt3A_9 = vector.broadcast %gt3A : f32 to vector<400x1xf32>
    %gt3A_10 = arith.cmpf ogt, %add3A, %gt3A_9 : vector<400x1xf32>
    %rsqrt3A = math.rsqrt %add3A : vector<400x1xf32>
    %jit3A = arith.constant 0.000000e+00 : f32
    %broadcast_in_dim3A = vector.broadcast %jit3A : f32 to vector<400x1xf32>
    %select_n3A = arith.select %gt3A_10, %rsqrt3A, %broadcast_in_dim3A : vector<400x1xi1>, vector<400x1xf32>
    %get3A_11 = arith.constant 0 : index
    %get3A_12 = arith.constant 0 : index
    %get3A_13 = vector.load %arg2[%get3A_11, %get3A_12] : memref<400x1xf32, #tpu.memory_space<vmem>>, vector<400x1xf32>
    %get3A_14 = arith.constant 0 : index
    %get3A_15 = arith.constant 0 : index
    %get3A_16 = vector.load %arg3[%get3A_14, %get3A_15] : memref<400x1xf32, #tpu.memory_space<vmem>>, vector<400x1xf32>
    %mul3A = arith.mulf %get3A_13, %get3A_16 : vector<400x1xf32>
    %get3A_17 = arith.constant 0 : index
    %get3A_18 = arith.constant 0 : index
    %get3A_19 = vector.load %arg5[%get3A_17, %get3A_18] : memref<1x128xf32, #tpu.memory_space<vmem>>, vector<1x128xf32>
    %mul3A_20 = vector.broadcast %mul3A : vector<400x1xf32> to vector<400x128xf32>
    %mul3A_21 = vector.broadcast %get3A_19 : vector<1x128xf32> to vector<400x128xf32>
    %mul3A_22 = arith.mulf %mul3A_20, %mul3A_21 : vector<400x128xf32>
    %get3A_23 = arith.constant 0 : index
    %get3A_24 = arith.constant 0 : index
    %get3A_25 = vector.load %arg6[%get3A_23, %get3A_24] : memref<1x128xf32, #tpu.memory_space<vmem>>, vector<1x128xf32>
    %add3A_26 = vector.broadcast %get3A_25 : vector<1x128xf32> to vector<400x128xf32>
    %add3A_27 = arith.addf %mul3A_22, %add3A_26 : vector<400x128xf32>
    %get3A_28 = arith.constant 0 : index
    %get3A_29 = arith.constant 0 : index
    %get3A_30 = vector.load %arg7[%get3A_28, %get3A_29] : memref<1x128xf32, #tpu.memory_space<vmem>>, vector<1x128xf32>
    %gt3A_31 = arith.constant 0.000000e+00 : f32
    %gt3A_32 = vector.broadcast %gt3A_31 : f32 to vector<400x128xf32>
    %gt3A_33 = arith.cmpf ogt, %add3A_27, %gt3A_32 : vector<400x128xf32>
    %mul3A_34 = vector.broadcast %get3A_30 : vector<1x128xf32> to vector<400x128xf32>
    %mul3A_35 = arith.mulf %mul3A_34, %add3A_27 : vector<400x128xf32>
    %select_n3A_36 = arith.select %gt3A_33, %add3A_27, %mul3A_35 : vector<400x128xi1>, vector<400x128xf32>
    %get3A_37 = arith.constant 0 : index
    %get3A_38 = arith.constant 0 : index
    %get3A_39 = vector.load %arg4[%get3A_37, %get3A_38] : memref<400x128xf32, #tpu.memory_space<vmem>>, vector<400x128xf32>
    %get3A_40 = arith.constant 0 : index
    %get3A_41 = arith.constant 0 : index
    %get3A_42 = vector.load %arg8[%get3A_40, %get3A_41] : memref<128x128xf32, #tpu.memory_space<vmem>>, vector<128x128xf32>
    %dot_general3A = arith.constant dense<0.000000e+00> : vector<400x128xf32>
    %dot_general3A_43 = tpu.matmul %get3A_39, %get3A_42, %dot_general3A {dimension_numbers = #tpu.dot_dimension_numbers<[1], [0], [0], [1], [0, 0, 1, 1], [], []>, transpose_lhs_hint = false} : vector<400x128xf32>, vector<128x128xf32>, vector<400x128xf32> -> vector<400x128xf32>
    %add3A_44 = arith.addf %select_n3A_36, %dot_general3A_43 : vector<400x128xf32>
    %get3A_45 = arith.constant 0 : index
    %get3A_46 = arith.constant 0 : index
    %get3A_47 = vector.load %arg9[%get3A_45, %get3A_46] : memref<1x128xf32, #tpu.memory_space<vmem>>, vector<1x128xf32>
    %add3A_48 = vector.broadcast %get3A_47 : vector<1x128xf32> to vector<400x128xf32>
    %add3A_49 = arith.addf %add3A_44, %add3A_48 : vector<400x128xf32>
    %get3A_50 = arith.constant 0 : index
    %get3A_51 = arith.constant 0 : index
    %get3A_52 = vector.load %arg10[%get3A_50, %get3A_51] : memref<128x128xf32, #tpu.memory_space<vmem>>, vector<128x128xf32>
    %dot_general3A_53 = arith.constant dense<0.000000e+00> : vector<400x128xf32>
    %dot_general3A_54 = tpu.matmul %add3A_49, %get3A_52, %dot_general3A_53 {dimension_numbers = #tpu.dot_dimension_numbers<[1], [0], [0], [1], [0, 0, 1, 1], [], []>, transpose_lhs_hint = false} : vector<400x128xf32>, vector<128x128xf32>, vector<400x128xf32> -> vector<400x128xf32>
    %mul3A_55 = vector.broadcast %select_n3A : vector<400x1xf32> to vector<400x128xf32>
    %mul3A_56 = arith.mulf %dot_general3A_54, %mul3A_55 : vector<400x128xf32>
    %swap3A = arith.constant 0 : index
    %swap3A_57 = arith.constant 0 : index
    %swap3A_58 = vector.load %arg11[%swap3A, %swap3A_57] : memref<400x128xf32, #tpu.memory_space<vmem>>, vector<400x128xf32>
    tpu.vector_store %arg11[%swap3A, %swap3A_57], %mul3A_56 {strides = array<i32>} : memref<400x128xf32, #tpu.memory_space<vmem>>, vector<400x128xf32>,
    %swap3A_59 = arith.constant 0 : index
    %swap3A_60 = arith.constant 0 : index
    %swap3A_61 = vector.load %arg12[%swap3A_59, %swap3A_60] : memref<400x1xf32, #tpu.memory_space<vmem>>, vector<400x1xf32>
    tpu.vector_store %arg12[%swap3A_59, %swap3A_60], %select_n3A {strides = array<i32>} : memref<400x1xf32, #tpu.memory_space<vmem>>, vector<400x1xf32>,
    return
  }
  func.func @transform_0(%arg0: i32) -> (i32, i32, i32) {
    %c0_i32 = arith.constant 0 : i32
    %c0_i32_0 = arith.constant 0 : i32
    %c0_i32_1 = arith.constant 0 : i32
    return %c0_i32, %arg0, %c0_i32_0 : i32, i32, i32
  }
  func.func @transform_1(%arg0: i32) -> (i32, i32) {
    %c0_i32 = arith.constant 0 : i32
    %c0_i32_0 = arith.constant 0 : i32
    return %arg0, %c0_i32 : i32, i32
  }
  func.func @transform_2(%arg0: i32) -> (i32, i32) {
    %c0_i32 = arith.constant 0 : i32
    %c0_i32_0 = arith.constant 0 : i32
    return %arg0, %c0_i32 : i32, i32
  }
  func.func @transform_3(%arg0: i32) -> (i32, i32) {
    %c0_i32 = arith.constant 0 : i32
    %c0_i32_0 = arith.constant 0 : i32
    return %arg0, %c0_i32 : i32, i32
  }
  func.func @transform_4(%arg0: i32) -> (i32, i32) {
    %c0_i32 = arith.constant 0 : i32
    %c0_i32_0 = arith.constant 0 : i32
    %c0_i32_1 = arith.constant 0 : i32
    return %c0_i32, %c0_i32_0 : i32, i32
  }
  func.func @transform_5(%arg0: i32) -> (i32, i32) {
    %c0_i32 = arith.constant 0 : i32
    %c0_i32_0 = arith.constant 0 : i32
    %c0_i32_1 = arith.constant 0 : i32
    return %c0_i32, %c0_i32_0 : i32, i32
  }
  func.func @transform_6(%arg0: i32) -> (i32, i32) {
    %c0_i32 = arith.constant 0 : i32
    %c0_i32_0 = arith.constant 0 : i32
    %c0_i32_1 = arith.constant 0 : i32
    return %c0_i32, %c0_i32_0 : i32, i32
  }
  func.func @transform_7(%arg0: i32) -> (i32, i32) {
    %c0_i32 = arith.constant 0 : i32
    %c0_i32_0 = arith.constant 0 : i32
    %c0_i32_1 = arith.constant 0 : i32
    return %c0_i32, %c0_i32_0 : i32, i32
  }
  func.func @transform_8(%arg0: i32) -> (i32, i32) {
    %c0_i32 = arith.constant 0 : i32
    %c0_i32_0 = arith.constant 0 : i32
    %c0_i32_1 = arith.constant 0 : i32
    return %c0_i32, %c0_i32_0 : i32, i32
  }
  func.func @transform_9(%arg0: i32) -> (i32, i32) {
    %c0_i32 = arith.constant 0 : i32
    %c0_i32_0 = arith.constant 0 : i32
    %c0_i32_1 = arith.constant 0 : i32
    return %c0_i32, %c0_i32_0 : i32, i32
  }
  func.func @transform_10(%arg0: i32) -> (i32, i32) {
    %c0_i32 = arith.constant 0 : i32
    %c0_i32_0 = arith.constant 0 : i32
    return %arg0, %c0_i32 : i32, i32
  }
  func.func @transform_11(%arg0: i32) -> (i32, i32) {
    %c0_i32 = arith.constant 0 : i32
    %c0_i32_0 = arith.constant 0 : i32
    return %arg0, %c0_i32 : i32, i32
  }
}

module attributes {stable_mosaic.version = 14 : i64} {
  func.func @_tc_mid_body(%arg0: i32, %arg1: memref<2x400x128xf32, #tpu.memory_space<vmem>>, %arg2: memref<400x1xf32, #tpu.memory_space<vmem>>, %arg3: memref<1x128xf32, #tpu.memory_space<vmem>>, %arg4: memref<1x128xf32, #tpu.memory_space<vmem>>, %arg5: memref<128x128xf32, #tpu.memory_space<vmem>>, %arg6: memref<400x128xf32, #tpu.memory_space<vmem>>) attributes {dimension_semantics = [#tpu.dimension_semantics<arbitrary>], iteration_bounds = array<i64: 25>, scalar_prefetch = 0 : i64, scratch_operands = 0 : i64, tpu.core_type = #tpu.core_type<tc>, window_params = [{transform_indices = @transform_0, window_bounds = array<i64: 2, 400, 128>}, {transform_indices = @transform_1, window_bounds = array<i64: 400, 1>}, {pipeline_mode = #tpu.pipeline_mode<synchronous>, transform_indices = @transform_2, window_bounds = array<i64: 1, 128>}, {pipeline_mode = #tpu.pipeline_mode<synchronous>, transform_indices = @transform_3, window_bounds = array<i64: 1, 128>}, {pipeline_mode = #tpu.pipeline_mode<synchronous>, transform_indices = @transform_4, window_bounds = array<i64: 128, 128>}, {transform_indices = @transform_5, window_bounds = array<i64: 400, 128>}]} {
    %get3A = arith.constant 0 : index
    %get3A_0 = arith.constant 0 : index
    %get3A_1 = vector.load %arg2[%get3A, %get3A_0] : memref<400x1xf32, #tpu.memory_space<vmem>>, vector<400x1xf32>
    %get3A_2 = arith.constant 0 : index
    %get3A_3 = arith.constant 0 : index
    %get3A_4 = arith.constant 0 : index
    %get3A_5 = vector.load %arg1[%get3A_2, %get3A_3, %get3A_4] : memref<2x400x128xf32, #tpu.memory_space<vmem>>, vector<1x400x128xf32>
    %get3A_6 = vector.shape_cast %get3A_5 : vector<1x400x128xf32> to vector<400x128xf32>
    %get3A_7 = arith.constant 1 : index
    %get3A_8 = arith.constant 0 : index
    %get3A_9 = arith.constant 0 : index
    %get3A_10 = vector.load %arg1[%get3A_7, %get3A_8, %get3A_9] : memref<2x400x128xf32, #tpu.memory_space<vmem>>, vector<1x400x128xf32>
    %get3A_11 = vector.shape_cast %get3A_10 : vector<1x400x128xf32> to vector<400x128xf32>
    %add3A = arith.addf %get3A_6, %get3A_11 : vector<400x128xf32>
    %mul3A = vector.broadcast %get3A_1 : vector<400x1xf32> to vector<400x128xf32>
    %mul3A_12 = arith.mulf %add3A, %mul3A : vector<400x128xf32>
    %get3A_13 = arith.constant 0 : index
    %get3A_14 = arith.constant 0 : index
    %get3A_15 = vector.load %arg3[%get3A_13, %get3A_14] : memref<1x128xf32, #tpu.memory_space<vmem>>, vector<1x128xf32>
    %add3A_16 = vector.broadcast %get3A_15 : vector<1x128xf32> to vector<400x128xf32>
    %add3A_17 = arith.addf %mul3A_12, %add3A_16 : vector<400x128xf32>
    %get3A_18 = arith.constant 0 : index
    %get3A_19 = arith.constant 0 : index
    %get3A_20 = vector.load %arg4[%get3A_18, %get3A_19] : memref<1x128xf32, #tpu.memory_space<vmem>>, vector<1x128xf32>
    %gt3A = arith.constant 0.000000e+00 : f32
    %gt3A_21 = vector.broadcast %gt3A : f32 to vector<400x128xf32>
    %gt3A_22 = arith.cmpf ogt, %add3A_17, %gt3A_21 : vector<400x128xf32>
    %mul3A_23 = vector.broadcast %get3A_20 : vector<1x128xf32> to vector<400x128xf32>
    %mul3A_24 = arith.mulf %mul3A_23, %add3A_17 : vector<400x128xf32>
    %select_n3A = arith.select %gt3A_22, %add3A_17, %mul3A_24 : vector<400x128xi1>, vector<400x128xf32>
    %get3A_25 = arith.constant 0 : index
    %get3A_26 = arith.constant 0 : index
    %get3A_27 = vector.load %arg5[%get3A_25, %get3A_26] : memref<128x128xf32, #tpu.memory_space<vmem>>, vector<128x128xf32>
    %dot_general3A = arith.constant dense<0.000000e+00> : vector<400x128xf32>
    %dot_general3A_28 = tpu.matmul %select_n3A, %get3A_27, %dot_general3A {dimension_numbers = #tpu.dot_dimension_numbers<[1], [0], [0], [1], [0, 0, 1, 1], [], []>, transpose_lhs_hint = false} : vector<400x128xf32>, vector<128x128xf32>, vector<400x128xf32> -> vector<400x128xf32>
    %mul3A_29 = vector.broadcast %get3A_1 : vector<400x1xf32> to vector<400x128xf32>
    %mul3A_30 = arith.mulf %dot_general3A_28, %mul3A_29 : vector<400x128xf32>
    %swap3A = arith.constant 0 : index
    %swap3A_31 = arith.constant 0 : index
    %swap3A_32 = vector.load %arg6[%swap3A, %swap3A_31] : memref<400x128xf32, #tpu.memory_space<vmem>>, vector<400x128xf32>
    tpu.vector_store %arg6[%swap3A, %swap3A_31], %mul3A_30 {strides = array<i32>} : memref<400x128xf32, #tpu.memory_space<vmem>>, vector<400x128xf32>,
    return
  }
  func.func @transform_0(%arg0: i32) -> (i32, i32, i32) {
    %c0_i32 = arith.constant 0 : i32
    %c0_i32_0 = arith.constant 0 : i32
    %c0_i32_1 = arith.constant 0 : i32
    return %c0_i32, %arg0, %c0_i32_0 : i32, i32, i32
  }
  func.func @transform_1(%arg0: i32) -> (i32, i32) {
    %c0_i32 = arith.constant 0 : i32
    %c0_i32_0 = arith.constant 0 : i32
    return %arg0, %c0_i32 : i32, i32
  }
  func.func @transform_2(%arg0: i32) -> (i32, i32) {
    %c0_i32 = arith.constant 0 : i32
    %c0_i32_0 = arith.constant 0 : i32
    %c0_i32_1 = arith.constant 0 : i32
    return %c0_i32, %c0_i32_0 : i32, i32
  }
  func.func @transform_3(%arg0: i32) -> (i32, i32) {
    %c0_i32 = arith.constant 0 : i32
    %c0_i32_0 = arith.constant 0 : i32
    %c0_i32_1 = arith.constant 0 : i32
    return %c0_i32, %c0_i32_0 : i32, i32
  }
  func.func @transform_4(%arg0: i32) -> (i32, i32) {
    %c0_i32 = arith.constant 0 : i32
    %c0_i32_0 = arith.constant 0 : i32
    %c0_i32_1 = arith.constant 0 : i32
    return %c0_i32, %c0_i32_0 : i32, i32
  }
  func.func @transform_5(%arg0: i32) -> (i32, i32) {
    %c0_i32 = arith.constant 0 : i32
    %c0_i32_0 = arith.constant 0 : i32
    return %arg0, %c0_i32 : i32, i32
  }
}

module attributes {stable_mosaic.version = 14 : i64} {
  func.func @_tc_out_body(%arg0: i32, %arg1: memref<2x400x128xf32, #tpu.memory_space<vmem>>, %arg2: memref<400x1xf32, #tpu.memory_space<vmem>>, %arg3: memref<1x40xf32, #tpu.memory_space<vmem>>, %arg4: memref<400x40xf32, #tpu.memory_space<vmem>>) attributes {dimension_semantics = [#tpu.dimension_semantics<arbitrary>], iteration_bounds = array<i64: 25>, scalar_prefetch = 0 : i64, scratch_operands = 0 : i64, tpu.core_type = #tpu.core_type<tc>, window_params = [{transform_indices = @transform_0, window_bounds = array<i64: 2, 400, 128>}, {transform_indices = @transform_1, window_bounds = array<i64: 400, 1>}, {pipeline_mode = #tpu.pipeline_mode<synchronous>, transform_indices = @transform_2, window_bounds = array<i64: 1, 40>}, {transform_indices = @transform_3, window_bounds = array<i64: 400, 40>}]} {
    %get3A = arith.constant 0 : index
    %get3A_0 = arith.constant 0 : index
    %get3A_1 = arith.constant 0 : index
    %get3A_2 = vector.load %arg1[%get3A, %get3A_0, %get3A_1] : memref<2x400x128xf32, #tpu.memory_space<vmem>>, vector<1x400x40xf32>
    %get3A_3 = vector.shape_cast %get3A_2 : vector<1x400x40xf32> to vector<400x40xf32>
    %get3A_4 = arith.constant 1 : index
    %get3A_5 = arith.constant 0 : index
    %get3A_6 = arith.constant 0 : index
    %get3A_7 = vector.load %arg1[%get3A_4, %get3A_5, %get3A_6] : memref<2x400x128xf32, #tpu.memory_space<vmem>>, vector<1x400x40xf32>
    %get3A_8 = vector.shape_cast %get3A_7 : vector<1x400x40xf32> to vector<400x40xf32>
    %add3A = arith.addf %get3A_3, %get3A_8 : vector<400x40xf32>
    %get3A_9 = arith.constant 0 : index
    %get3A_10 = arith.constant 0 : index
    %get3A_11 = vector.load %arg2[%get3A_9, %get3A_10] : memref<400x1xf32, #tpu.memory_space<vmem>>, vector<400x1xf32>
    %mul3A = vector.broadcast %get3A_11 : vector<400x1xf32> to vector<400x40xf32>
    %mul3A_12 = arith.mulf %add3A, %mul3A : vector<400x40xf32>
    %get3A_13 = arith.constant 0 : index
    %get3A_14 = arith.constant 0 : index
    %get3A_15 = vector.load %arg3[%get3A_13, %get3A_14] : memref<1x40xf32, #tpu.memory_space<vmem>>, vector<1x40xf32>
    %add3A_16 = vector.broadcast %get3A_15 : vector<1x40xf32> to vector<400x40xf32>
    %add3A_17 = arith.addf %mul3A_12, %add3A_16 : vector<400x40xf32>
    %reduce_max3A = arith.constant dense<0xFF800000> : vector<400xf32>
    %reduce_max3A_18 = vector.multi_reduction <maximumf>, %add3A_17, %reduce_max3A [1] : vector<400x40xf32> to vector<400xf32>
    %broadcast_in_dim3A = vector.shape_cast %reduce_max3A_18 : vector<400xf32> to vector<400x1xf32>
    %sub3A = vector.broadcast %broadcast_in_dim3A : vector<400x1xf32> to vector<400x40xf32>
    %sub3A_19 = arith.subf %add3A_17, %sub3A : vector<400x40xf32>
    %exp3A = math.exp %sub3A_19 : vector<400x40xf32>
    %reduce_sum3A = arith.constant dense<0.000000e+00> : vector<400xf32>
    %reduce_sum3A_20 = vector.multi_reduction <add>, %exp3A, %reduce_sum3A [1] : vector<400x40xf32> to vector<400xf32>
    %broadcast_in_dim3A_21 = vector.shape_cast %reduce_sum3A_20 : vector<400xf32> to vector<400x1xf32>
    %log3A = math.log %broadcast_in_dim3A_21 : vector<400x1xf32>
    %sub3A_22 = vector.broadcast %broadcast_in_dim3A : vector<400x1xf32> to vector<400x40xf32>
    %sub3A_23 = arith.subf %add3A_17, %sub3A_22 : vector<400x40xf32>
    %sub3A_24 = vector.broadcast %log3A : vector<400x1xf32> to vector<400x40xf32>
    %sub3A_25 = arith.subf %sub3A_23, %sub3A_24 : vector<400x40xf32>
    %swap3A = arith.constant 0 : index
    %swap3A_26 = arith.constant 0 : index
    %swap3A_27 = vector.load %arg4[%swap3A, %swap3A_26] : memref<400x40xf32, #tpu.memory_space<vmem>>, vector<400x40xf32>
    tpu.vector_store %arg4[%swap3A, %swap3A_26], %sub3A_25 {strides = array<i32>} : memref<400x40xf32, #tpu.memory_space<vmem>>, vector<400x40xf32>,
    return
  }
  func.func @transform_0(%arg0: i32) -> (i32, i32, i32) {
    %c0_i32 = arith.constant 0 : i32
    %c0_i32_0 = arith.constant 0 : i32
    %c0_i32_1 = arith.constant 0 : i32
    return %c0_i32, %arg0, %c0_i32_0 : i32, i32, i32
  }
  func.func @transform_1(%arg0: i32) -> (i32, i32) {
    %c0_i32 = arith.constant 0 : i32
    %c0_i32_0 = arith.constant 0 : i32
    return %arg0, %c0_i32 : i32, i32
  }
  func.func @transform_2(%arg0: i32) -> (i32, i32) {
    %c0_i32 = arith.constant 0 : i32
    %c0_i32_0 = arith.constant 0 : i32
    %c0_i32_1 = arith.constant 0 : i32
    return %c0_i32, %c0_i32_0 : i32, i32
  }
  func.func @transform_3(%arg0: i32) -> (i32, i32) {
    %c0_i32 = arith.constant 0 : i32
    %c0_i32_0 = arith.constant 0 : i32
    return %arg0, %c0_i32 : i32, i32
  }
}

</mosaic_0001>

<sc_bundles>
// kernel: kernel.10.cloned.1.call-start
scs
__scs_entry_jumppad:
0x0: {  	(pc) =	sbr.rel $0x88, $3  }
0x1: {  	(tag) =	ssettag $0x0;
	lr =	simm.s32 $0x1  }
0x2: {  	[smem:$0x3F90] =	sst lr;
	_ =	strace $0xD0000000  }
0x3: {  	_ = 	snop  }
0x4: {  	_ = 	snop  }
0x5: {  	_ = 	snop  }
0x6: {  	_ = 	snop  }
0x7: {  	_ = 	snop  }
__scs_overlays_trampoline_lowered:
0x8: {  	[smem:$0x3F9F] =	sst s0  }
0x9: {  	[smem:$0x3FA0] =	sst s1  }
0xa: {  	[smem:$0x3FA1] =	sst s2  }
0xb: {  	[smem:$0x3FA2] =	sst s3  }
0xc: {  	[smem:$0x3FA3] =	sst s4  }
0xd: {  	[smem:$0x3FA4] =	sst s5  }
0xe: {  	[smem:$0x3FA5] =	sst s6  }
0xf: {  	[smem:$0x3FA6] =	sst s7  }
0x10: {  	[smem:$0x3FA7] =	sst s8  }
0x11: {  	[smem:$0x3FA8] =	sst s9;
	s0 =	simm.s32 @!p0 $0x0  }
0x12: {  	s1 =	sld [smem:$0x3F8E];
	s0 =	simm.s32 @p0 $0x1  }
0x13: {  	[smem:$0x3FA9] =	sst s0;
	s0 =	simm.s32 @!p1 $0x0  }
0x14: {  	s2 =	sld [smem:$0x3F8D];
	s0 =	simm.s32 @p1 $0x1  }
0x15: {  	[smem:$0x3FAA] =	sst s0;
	s0 =	simm.s32 @!p2 $0x0  }
0x16: {  	s3 =	sld [smem:$0x3FDB];
	s0 =	simm.s32 @p2 $0x1  }
0x17: {  	s4 =	simm.s32 $0x1BF5;
	[smem:$0x3FAC] =	sst s0  }
0x18: {  	s0 =	sld [smem:$0x3F8F];
	_ =	swait.ge [sflag:s4], $0x0  }
0x19: {  	s7 =	sld [smem:$0x3F90]  }
0x1a: {  	s8 =	sadd.s32 $0xFFFFE003, lr  }
0x1b: {  	s9 =	sadd.s32 $0xFFFFFEF7, lr;
	s5 =	simm.s32 $0xFFFFFFFF;
	p2 =	slt.u32 s8, $0xFFFFF086  }
0x1c: {  	p1 =	slt.u32 s9, $0xF7A;
	s5 =	simm.s32 @!p2 $0x0  }
0x1d: {  	s5 =	simm.s32 @p1 $0x1;
	p0 =	seq.s32 s7, s2  }
0x1e: {  	s7 =	smul.u32 @!p0 $0xF7A, s2;
	p2 =	seq.s32 @!p0 s5, $0x0  }
0x1f: {  	s9 =	smul.u32 $0xF7A, s1;
	s8 =	simm.s32 @!p0 $0x1BF5;
	p2 =	por !p2, p0  }
0x20: {  	[sflag:s8] =	ssyncset.s32 @!p0 $0xFFFFF086;
	s6 =	sadd.s32 @!p0 s3, s7;
	s7 =	simm.s32 @!p0 $0x108  }
0x21: {  	s3 =	sadd.s32 s3, s9;
	s6 =	sadd.s32 @!p0 $0x88, s6;
	s7 =	simm.s32 @p2 $0x1082  }
0x22: {  	[simem:s7], [sflag:s8] =	dma.local @!p0 [hbm:s6], $0xF7A  }
0x23: {  	s9 =	sor.u32 $0xD0000000, s2;
	s6 =	simm.s32 $0x108;
	_ =	swait.ge @!p0 [sflag:s8], $0x0  }
0x24: {  	s3 =	sadd.s32 $0x88, s3;
	s6 =	simm.s32 @!p1 $0x1082;
	[sflag:s4] =	ssyncset.s32 $0xFFFFF086  }
0x25: {  	[simem:s6], [sflag:s4] =	dma.local [hbm:s3], $0xF7A  }
0x26: {  	[smem:$0x3F90] =	sst s1;
	(tag) =	ssettag s2;
	_ =	strace s9  }
0x27: {  	s1 =	sld [smem:$0x3FA0]  }
0x28: {  	s2 =	sld [smem:$0x3FA1]  }
0x29: {  	s4 =	sld [smem:$0x3FA3]  }
0x2a: {  	p0 =	seq.s32 s5, $0x0;
	s5 =	sld [smem:$0x3FA4]  }
0x2b: {  	s6 =	sld [smem:$0x3FA5]  }
0x2c: {  	s7 =	sld [smem:$0x3FA6]  }
0x2d: {  	s3 =	simm.s32 $0x108;
	s8 =	sld [smem:$0x3FA7]  }
0x2e: {  	s3 =	simm.s32 @!p0 $0x1082;
	s9 =	sld [smem:$0x3FA8]  }
0x2f: {  	lr =	sadd.s32 s0, s3;
	s0 =	sld [smem:$0x3F9F]  }
0x30: {  	s3 =	sld [smem:$0x3FA2]  }
0x31: {  	[smem:$0x3FAB] =	sst s10  }
0x32: {  	s10 =	sld [smem:$0x3FA9];
	_ =	sdelay $0x3  }
0x33: {  	p0 =	seq.s32 s10, $0x1;
	s10 =	sld [smem:$0x3FAB];
	_ =	sdelay $0x3  }
0x34: {  	[smem:$0x3FAB] =	sst s10  }
0x35: {  	s10 =	sld [smem:$0x3FAA];
	_ =	sdelay $0x3  }
0x36: {  	p1 =	seq.s32 s10, $0x1;
	s10 =	sld [smem:$0x3FAB];
	_ =	sdelay $0x3  }
0x37: {  	[smem:$0x3FAB] =	sst s10  }
0x38: {  	s10 =	sld [smem:$0x3FAC]  }
0x39: {  	_ = 	snop;
	(pc) =	sbr.ind lr, $3  }
0x3a: {  	_ = 	snop  }
0x3b: {  	_ = 	snop  }
0x3c: {  	p2 =	seq.s32 s10, $0x1;
	s10 =	sld [smem:$0x3FAB]  }
0x3d: {  	_ =	shalt  }
0x3e: {  	_ =	shalt  }
0x3f: {  	_ =	shalt  }
0x40: {  	_ =	shalt  }
0x41: {  	_ =	shalt  }
0x42: {  	_ =	shalt  }
0x43: {  	_ =	shalt  }
0x44: {  	_ =	shalt  }
0x45: {  	_ =	shalt  }
0x46: {  	_ =	shalt  }
0x47: {  	_ =	shalt  }
0x48: {  	_ =	shalt  }
0x49: {  	_ =	shalt  }
0x4a: {  	_ =	shalt  }
0x4b: {  	_ =	shalt  }
0x4c: {  	_ =	shalt  }
0x4d: {  	_ =	shalt  }
0x4e: {  	_ =	shalt  }
0x4f: {  	_ =	shalt  }
0x50: {  	_ =	shalt  }
0x51: {  	_ =	shalt  }
0x52: {  	_ =	shalt  }
0x53: {  	_ =	shalt  }
0x54: {  	_ =	shalt  }
0x55: {  	_ =	shalt  }
0x56: {  	_ =	shalt  }
0x57: {  	_ =	shalt  }
0x58: {  	_ =	shalt  }
0x59: {  	_ =	shalt  }
0x5a: {  	_ =	shalt  }
0x5b: {  	_ =	shalt  }
0x5c: {  	_ =	shalt  }
0x5d: {  	_ =	shalt  }
0x5e: {  	_ =	shalt  }
0x5f: {  	_ =	shalt  }
0x60: {  	_ =	shalt  }
0x61: {  	_ =	shalt  }
0x62: {  	_ =	shalt  }
0x63: {  	_ =	shalt  }
0x64: {  	_ =	shalt  }
0x65: {  	_ =	shalt  }
0x66: {  	_ =	shalt  }
0x67: {  	_ =	shalt  }
0x68: {  	_ =	shalt  }
0x69: {  	_ =	shalt  }
0x6a: {  	_ =	shalt  }
0x6b: {  	_ =	shalt  }
0x6c: {  	_ =	shalt  }
0x6d: {  	_ =	shalt  }
0x6e: {  	_ =	shalt  }
0x6f: {  	_ =	shalt  }
0x70: {  	_ =	shalt  }
0x71: {  	_ =	shalt  }
0x72: {  	_ =	shalt  }
0x73: {  	_ =	shalt  }
0x74: {  	_ =	shalt  }
0x75: {  	_ =	shalt  }
0x76: {  	_ =	shalt  }
0x77: {  	_ =	shalt  }
0x78: {  	_ =	shalt  }
0x79: {  	_ =	shalt  }
0x7a: {  	_ =	shalt  }
0x7b: {  	_ =	shalt  }
0x7c: {  	_ =	shalt  }
0x7d: {  	_ =	shalt  }
0x7e: {  	_ =	shalt  }
0x7f: {  	_ =	shalt  }
0x80: {  	_ =	shalt  }
0x81: {  	_ =	shalt  }
0x82: {  	_ =	shalt  }
0x83: {  	_ =	shalt  }
0x84: {  	_ =	shalt  }
0x85: {  	_ =	shalt  }
0x86: {  	_ =	shalt  }
0x87: {  	_ =	shalt  }
.Lfunc_end0:
.L_simem_size_0:
called_computation_lowered:
.L_overlay_start_0:
0x88: {  	s2 =	sld [smem:$0x3FD9]  }
0x89: {  	s3 =	sld [smem:$0x3FFE];
	_ =	sdelay $0x1  }
0x8a: {  	s1 =	srdreg.scid  }
0x8b: {  	s0 =	sand.u32 $0x1, s1  }
0x8c: {  	s16 =	sshll.u32 s0, $0xA;
	s2 =	sadd.s32 s3, s2  }
0x8d: {  	s2 =	sadd.s32 s2, s16  }
0x8e: {  	[smem:$0x3FB7] =	sst s2  }
0x8f: {  	_ = 	snop  }
0x90: {  	(tm) =	ssettm $0x1  }
0x91: {  	s17 =	sld [smem:$0x3FFB];
	_ =	sdelay $0x3  }
0x92: {  	_ =	strace s17  }
0x93: {  	s2 =	sld [smem:$0x3FFC];
	_ =	sdelay $0x3  }
0x94: {  	_ =	strace s2  }
0x95: {  	s2 =	sld [smem:$0x3FFD];
	_ =	sdelay $0x3  }
0x96: {  	_ =	strace s2  }
0x97: {  	_ =	strace $0x8FFFFFFF  }
0x98: {  	s18 =	sld [smem:$0x3FDB];
	_ =	sdelay $0x1  }
0x99: {  	s19 =	simm.s32 $_scs_section_size  }
0x9a: {  	s4 =	simm.s32 $_size__tile_overlayer_lowered;
	s5 =	simm.s32 $_tile_overlayer_lowered  }
0x9b: {  	s22 =	simm.s32 $0x1BFF;
	s21 =	sshll.u32 s5, $0x1;
	s2 =	sadd.s32 s19, s18  }
0x9c: {  	s6 =	simm.s32 $0x0;
	s20 =	sshll.u32 s4, $0x1;
	s4 =	sadd.s32 s21, s2  }
0x9d: {  	[timem:s6], [sflag:s22] =	dma.local [hbm:s4], s20  }
0x9e: {  	_ =	swait.ge [sflag:s22], s20  }
0x9f: {  	s3 =	ssub.s32 $0x0, s20;
	[sflag:s22] =	ssyncset.done $0x0  }
0xa0: {  	[sflag:s22] =	ssyncadd.s32 s3;
	_ =	sdelay $0x1  }
0xa1: {  	s23 =	simm.s32 $0x1B8B  }
0xa2: {  	_ =	swait.ge [sflag:s23], $0x1  }
0xa3: {  	[sflag:s23] =	ssyncset.done $0x0  }
0xa4: {  	s25 =	simm.s32 $0x1B8E;
	s24 =	sld [smem:$0x3FFE];
	[sflag:s23] =	ssyncadd.s32 $0xFFFFFFFF  }
0xa5: {  	s26 =	simm.s32 $execute0_lowered;
	[smem:$0x3FD2] =	sst s25  }
0xa6: {  	s4 =	sshll.u32 s26, $0x1;
	_ =	strace $0x80000046;
	[dreg:$0x1] =	wrdreg $0xFFFFFFFF  }
0xa7: {  	s28 =	simm.s32 $_size_execute0_lowered;
	s2 =	sadd.s32 s2, s4;
	[dreg:$0x0] =	wrdreg $0x0  }
0xa8: {  	s4 =	sshll.u32 s28, $0x1;
	[dreg:$0x2] =	wrdreg s2  }
0xa9: {  	[dreg:$0x3] =	wrdreg s4  }
0xaa: {  	[dreg:$0x4] =	wrdreg $0xC0  }
0xab: {  	_ =	task [dreg:s6], $0x5FFFF  }
0xac: {  	[dreg:$0x1] =	wrdreg $0xFFFFFFFF  }
0xad: {  	[dreg:$0x0] =	wrdreg $0x60  }
0xae: {  	[dreg:$0x2] =	wrdreg s24  }
0xaf: {  	[dreg:$0x3] =	wrdreg $0x6C000  }
0xb0: {  	[dreg:$0x4] =	wrdreg $0x9  }
0xb1: {  	_ =	task.clear_ibuf [dreg:s6], $0x5FFFF;
	_ =	strace $0x90000046  }
0xb2: {  	s29 =	simm.s32 $0x9;
	_ =	strace $0x80000048  }
0xb3: {  	_ =	swait.ge [sflag:s29], $0x1  }
0xb4: {  	[sflag:s29] =	ssyncadd.s32 $0xFFFFFFFF  }
0xb5: {  	_ =	strace $0x90000048  }
0xb6: {  	_ =	sfence  }
0xb7: {  	s30 =	sld [smem:$0x0];
	_ =	sdelay $0x2  }
0xb8: {  	s31 =	sshll.u32 s1, $0xD;
	s1 =	sshrl.u32 s1, $0x2  }
0xb9: {  	s3 =	sand.u32 $0x4000, s31;
	s1 =	sadd.s32 s1, s30  }
0xba: {  	s0 =	sor.u32 s3, s0;
	s1 =	sshll.u32 s1, $0x11  }
0xbb: {  	s0 =	sor.u32 s1, s0  }
0xbc: {  	s0 =	sadd.s32 $0x8F2B, s0  }
0xbd: {  	[sflag:s0] =	ssyncadd.remote.s32 $0x1  }
0xbe: {  	_ =	sfence.sel $0xFFFF  }
0xbf: {  	[dreg:$0x0] =	wrdreg $0xFFFFFFFF;
	(pc) =	sbr.abs _section_cstart, $3  }
0xc0: {  	[dreg:$0x1] =	wrdreg $0xFFFFFFFF  }
0xc1: {  	_ =	task.clear_ibuf [dreg:s6], $0x2FFFF;
	_ =	strace $0x9FFFFFFF  }
0xc2: {  	(tm) =	ssettm $0x7FFFFFFF  }
0xc3: {  	_ =	shalt  }
tec
execute0_lowered:
.L_overlay_start_1:
0x0: {  	(tag) =	ssettag $0x1  }
0x1: {  	s0 =	srdreg.scid;
	s5 =	rddreg [dreg:$0x0]  }
0x2: {  	s2 =	rddreg [dreg:$0x1];
	s6 =	sand.u32 $0x1, s0  }
0x3: {  	s0 =	stileid.u32;
	s4 =	smul.u32 $0x2C000, s6  }
0x4: {  	s1 =	rddreg [dreg:$0x2];
	s3 =	simm.s32 $0x0;
	s7 =	smul.u32 $0x2C00, s0  }
0x5: {  	s14 =	simm.s32 $0x0;
	[smem:$0x7FF] =	sst s3;
	s28 =	smul.u32 $0x13C00, s0  }
0x6: {  	_ =	strace $0x80000047;
	s8 =	smul.u32 $0x13C000, s6;
	s6 =	ssub.s32 $0x2, s6  }
0x7: {  	s29 =	smul.u32 $0x4F000, s0;
	s31 =	sshll.u32 s0, $0x6;
	s11 =	sshrl.u32 s6, $0x1  }
0x8: {  	s4 =	sadd.s32 s7, s4;
	s10 =	sshrl.u32 s28, $0x3;
	s7 =	sadd.s32 s28, s8  }
0x9: {  	s11 =	ssub.s32 s6, s11;
	s30 =	sshrl.u32 s29, $0x2;
	s6 =	sor.u32 $0x1C01, s31  }
0xa: {  	s4 =	sshrl.u32 s4, $0x3;
	s10 =	sadd.s32 s10, s5;
	s7 =	sshrl.u32 s7, $0x3  }
0xb: {  	s13 =	sadd.s32 s30, s2;
	s9 =	sadd.s32 s4, s5;
	s4 =	sadd.s32 $0xE400, s5  }
0xc: {  	s12 =	sadd.s32 s7, s5;
	s5 =	sadd.s32 $0xEC00, s10;
	s10 =	sshrl.u32 s13, $0x3  }
0xd: {  	s13 =	simm.s32 $0x80;
	s7 =	sadd.s32 $0x3400, s9;
	s8 =	sadd.s32 $0x36400, s12  }
0xe: {  	s9 =	smax.u32 s11, $0x1;
	s11 =	simm.s32 $0x1;
	s12 =	simm.s32 $0x2C00  }
.LBB2_1:
0xf: {  	[spmem:s10], [sflag:s6] =	dma.local [hbm:s5], $0x2780  }
0x10: {  	_ =	swait.ge [sflag:s11], $0x2780  }
0x11: {  	[sflag:s11] =	ssyncset.done $0x0  }
0x12: {  	[sflag:s11] =	ssyncadd.s32 $0xFFFFD880  }
0x13: {  	[tilespmem:s3], [sflag:$0x1] =	stream.linear.gather [hbm4b:s7+s3], $0x2880, $0x38;
	[tilespmem:$0x1A800] =	vst v63  }
0x14: {  	_ =	swait.ge [sflag:s11], $0x2880  }
0x15: {  	[sflag:s11] =	ssyncset.done $0x0  }
0x16: {  	[sflag:s11] =	ssyncadd.s32 $0xFFFFD780  }
0x17: {  	[tilespmem:s12], [sflag:$0x1] =	stream.linear.gather [hbm4b:s4+s3], $0x4000, $0x38;
	[tilespmem:$0x1A800] =	vst v63  }
0x18: {  	_ =	swait.ge [sflag:s11], $0x4000  }
0x19: {  	[sflag:s11] =	ssyncset.done $0x0  }
0x1a: {  	[sflag:s11] =	ssyncadd.s32 $0xFFFFC000  }
0x1b: {  	s15 =	simm.s32 $0x0;
	[bflag:$0x0] =	sbarrier.arrive $0xFFFF  }
0x1c: {  	[spmem:s2] =	stream.indirect.scatter.add.f32 [tilespmem:s12], [sflag:$0x1], $0x80, s15, s13, $0xb8;
	[tilespmem:$0x1A800] =	vst v63  }
0x1d: {  	_ =	swait.ge [sflag:s11], $0x4000  }
0x1e: {  	s15 =	simm.s32 $0x200;
	[sflag:s11] =	ssyncset.done $0x0  }
.LBB2_2:
0x1f: {  	s16 =	sshra.s32 s15, $0x2;
	[sflag:s11] =	ssyncadd.s32 $0xFFFFC000;
	p0 =	sne.s32 s15, $0xA000  }
0x20: {  	[spmem:s2] =	stream.indirect.scatter.add.f32 [tilespmem:s12], [sflag:$0x1], $0x80, s16, s13, $0xb8;
	[tilespmem:$0x1A800] =	vst v63  }
.Ltmp0:
0x21: {  	_ = 	snop;
	(pc) =	sbr.rel @p0 .LBB2_2-.Ltmp0, $4  }
0x22: {  	_ = 	snop  }
0x23: {  	s15 =	sadd.s32 $0x200, s15  }
0x24: {  	_ =	swait.ge [sflag:s11], $0x4000  }
0x25: {  	[sflag:s11] =	ssyncset.done $0x0  }
0x26: {  	s14 =	sadd.s32 $0x1, s14  }
0x27: {  	[sflag:s11] =	ssyncadd.s32 $0xFFFFC000;
	p0 =	sne.s32 s14, s9  }
.Ltmp1:
0x28: {  	[bflag:$0x0] =	sbarrier.arrive $0xFFFF;
	(pc) =	sbr.rel @p0 .LBB2_1-.Ltmp1, $4  }
0x29: {  	[hbm:s8], [sflag:s6] =	dma.local [spmem:s10], $0x2780  }
0x2a: {  	_ =	swait.ge [sflag:s11], $0x2780  }
0x2b: {  	[sflag:s11] =	ssyncset.done $0x0  }
0x2c: {  	[sflag:s11] =	ssyncadd.s32 $0xFFFFD880  }
0x2d: {  	_ =	sfence.sel $0x180000  }
0x2e: {  	[bflag:$0x0] =	sbarrier.arrive $0xFFFF  }
0x2f: {  	p0 =	sne.s32 s0, $0x0;
	_ =	strace $0x90000047  }
0x30: {  	s0 =	sadd.s32 @!p0 $0x100000, s1;
	[bflag:$0x2] =	sbarrier.arrive $0xFFFF  }
0x31: {  	[sflag:s0] =	ssyncadd.tile.s32 @!p0 $0x1;
	_ =	shalt  }
.Lfunc_end2:
_tile_overlayer_lowered:
.L_overlay_start_2:
0x32: {  	(tag) =	ssettag $0x2  }
0x33: {  	s0 =	rddreg [dreg:$0x0];
	s2 =	stileid.u32  }
0x34: {  	s1 =	rddreg [dreg:$0x1];
	p0 =	sne.s32 s2, $0x0  }
0x35: {  	s3 =	rddreg [dreg:$0x2];
	[bflag:$0x3] =	sbarrier.arrive $0xFFFF;
	s2 =	simm.s32 @!p0 $0x1C01  }
0x36: {  	[timem:s3], [sflag:s2] =	dma.local @!p0 [hbm:s0], s1  }
0x37: {  	s0 =	simm.s32 @!p0 $0x1  }
0x38: {  	_ =	swait.ge @!p0 [sflag:s0], s1  }
0x39: {  	s1 =	ssub.s32 @!p0 $0x0, s1;
	[sflag:s0] =	ssyncset.done @!p0 $0x0  }
0x3a: {  	[sflag:s0] =	ssyncadd.s32 @!p0 s1  }
0x3b: {  	[bflag:$0x3] =	sbarrier.arrive $0xFFFF  }
0x3c: {  	_ =	shalt  }

// kernel: kernel.13.cloned.1.call-start
scs
__scs_entry_jumppad:
0x0: {  	(pc) =	sbr.rel $0x88, $3  }
0x1: {  	(tag) =	ssettag $0x0;
	lr =	simm.s32 $0x1  }
0x2: {  	[smem:$0x3F90] =	sst lr;
	_ =	strace $0xD0000000  }
0x3: {  	_ = 	snop  }
0x4: {  	_ = 	snop  }
0x5: {  	_ = 	snop  }
0x6: {  	_ = 	snop  }
0x7: {  	_ = 	snop  }
__scs_overlays_trampoline_lowered:
0x8: {  	[smem:$0x3F9F] =	sst s0  }
0x9: {  	[smem:$0x3FA0] =	sst s1  }
0xa: {  	[smem:$0x3FA1] =	sst s2  }
0xb: {  	[smem:$0x3FA2] =	sst s3  }
0xc: {  	[smem:$0x3FA3] =	sst s4  }
0xd: {  	[smem:$0x3FA4] =	sst s5  }
0xe: {  	[smem:$0x3FA5] =	sst s6  }
0xf: {  	[smem:$0x3FA6] =	sst s7  }
0x10: {  	[smem:$0x3FA7] =	sst s8  }
0x11: {  	[smem:$0x3FA8] =	sst s9;
	s0 =	simm.s32 @!p0 $0x0  }
0x12: {  	s1 =	sld [smem:$0x3F8E];
	s0 =	simm.s32 @p0 $0x1  }
0x13: {  	[smem:$0x3FA9] =	sst s0;
	s0 =	simm.s32 @!p1 $0x0  }
0x14: {  	s2 =	sld [smem:$0x3F8D];
	s0 =	simm.s32 @p1 $0x1  }
0x15: {  	[smem:$0x3FAA] =	sst s0;
	s0 =	simm.s32 @!p2 $0x0  }
0x16: {  	s3 =	sld [smem:$0x3FDB];
	s0 =	simm.s32 @p2 $0x1  }
0x17: {  	s4 =	simm.s32 $0x1BF5;
	[smem:$0x3FAC] =	sst s0  }
0x18: {  	s0 =	sld [smem:$0x3F8F];
	_ =	swait.ge [sflag:s4], $0x0  }
0x19: {  	s7 =	sld [smem:$0x3F90]  }
0x1a: {  	s8 =	sadd.s32 $0xFFFFE003, lr  }
0x1b: {  	s9 =	sadd.s32 $0xFFFFFEF7, lr;
	s5 =	simm.s32 $0xFFFFFFFF;
	p2 =	slt.u32 s8, $0xFFFFF086  }
0x1c: {  	p1 =	slt.u32 s9, $0xF7A;
	s5 =	simm.s32 @!p2 $0x0  }
0x1d: {  	s5 =	simm.s32 @p1 $0x1;
	p0 =	seq.s32 s7, s2  }
0x1e: {  	s7 =	smul.u32 @!p0 $0xF7A, s2;
	p2 =	seq.s32 @!p0 s5, $0x0  }
0x1f: {  	s9 =	smul.u32 $0xF7A, s1;
	s8 =	simm.s32 @!p0 $0x1BF5;
	p2 =	por !p2, p0  }
0x20: {  	[sflag:s8] =	ssyncset.s32 @!p0 $0xFFFFF086;
	s6 =	sadd.s32 @!p0 s3, s7;
	s7 =	simm.s32 @!p0 $0x108  }
0x21: {  	s3 =	sadd.s32 s3, s9;
	s6 =	sadd.s32 @!p0 $0x88, s6;
	s7 =	simm.s32 @p2 $0x1082  }
0x22: {  	[simem:s7], [sflag:s8] =	dma.local @!p0 [hbm:s6], $0xF7A  }
0x23: {  	s9 =	sor.u32 $0xD0000000, s2;
	s6 =	simm.s32 $0x108;
	_ =	swait.ge @!p0 [sflag:s8], $0x0  }
0x24: {  	s3 =	sadd.s32 $0x88, s3;
	s6 =	simm.s32 @!p1 $0x1082;
	[sflag:s4] =	ssyncset.s32 $0xFFFFF086  }
0x25: {  	[simem:s6], [sflag:s4] =	dma.local [hbm:s3], $0xF7A  }
0x26: {  	[smem:$0x3F90] =	sst s1;
	(tag) =	ssettag s2;
	_ =	strace s9  }
0x27: {  	s1 =	sld [smem:$0x3FA0]  }
0x28: {  	s2 =	sld [smem:$0x3FA1]  }
0x29: {  	s4 =	sld [smem:$0x3FA3]  }
0x2a: {  	p0 =	seq.s32 s5, $0x0;
	s5 =	sld [smem:$0x3FA4]  }
0x2b: {  	s6 =	sld [smem:$0x3FA5]  }
0x2c: {  	s7 =	sld [smem:$0x3FA6]  }
0x2d: {  	s3 =	simm.s32 $0x108;
	s8 =	sld [smem:$0x3FA7]  }
0x2e: {  	s3 =	simm.s32 @!p0 $0x1082;
	s9 =	sld [smem:$0x3FA8]  }
0x2f: {  	lr =	sadd.s32 s0, s3;
	s0 =	sld [smem:$0x3F9F]  }
0x30: {  	s3 =	sld [smem:$0x3FA2]  }
0x31: {  	[smem:$0x3FAB] =	sst s10  }
0x32: {  	s10 =	sld [smem:$0x3FA9];
	_ =	sdelay $0x3  }
0x33: {  	p0 =	seq.s32 s10, $0x1;
	s10 =	sld [smem:$0x3FAB];
	_ =	sdelay $0x3  }
0x34: {  	[smem:$0x3FAB] =	sst s10  }
0x35: {  	s10 =	sld [smem:$0x3FAA];
	_ =	sdelay $0x3  }
0x36: {  	p1 =	seq.s32 s10, $0x1;
	s10 =	sld [smem:$0x3FAB];
	_ =	sdelay $0x3  }
0x37: {  	[smem:$0x3FAB] =	sst s10  }
0x38: {  	s10 =	sld [smem:$0x3FAC]  }
0x39: {  	_ = 	snop;
	(pc) =	sbr.ind lr, $3  }
0x3a: {  	_ = 	snop  }
0x3b: {  	_ = 	snop  }
0x3c: {  	p2 =	seq.s32 s10, $0x1;
	s10 =	sld [smem:$0x3FAB]  }
0x3d: {  	_ =	shalt  }
0x3e: {  	_ =	shalt  }
0x3f: {  	_ =	shalt  }
0x40: {  	_ =	shalt  }
0x41: {  	_ =	shalt  }
0x42: {  	_ =	shalt  }
0x43: {  	_ =	shalt  }
0x44: {  	_ =	shalt  }
0x45: {  	_ =	shalt  }
0x46: {  	_ =	shalt  }
0x47: {  	_ =	shalt  }
0x48: {  	_ =	shalt  }
0x49: {  	_ =	shalt  }
0x4a: {  	_ =	shalt  }
0x4b: {  	_ =	shalt  }
0x4c: {  	_ =	shalt  }
0x4d: {  	_ =	shalt  }
0x4e: {  	_ =	shalt  }
0x4f: {  	_ =	shalt  }
0x50: {  	_ =	shalt  }
0x51: {  	_ =	shalt  }
0x52: {  	_ =	shalt  }
0x53: {  	_ =	shalt  }
0x54: {  	_ =	shalt  }
0x55: {  	_ =	shalt  }
0x56: {  	_ =	shalt  }
0x57: {  	_ =	shalt  }
0x58: {  	_ =	shalt  }
0x59: {  	_ =	shalt  }
0x5a: {  	_ =	shalt  }
0x5b: {  	_ =	shalt  }
0x5c: {  	_ =	shalt  }
0x5d: {  	_ =	shalt  }
0x5e: {  	_ =	shalt  }
0x5f: {  	_ =	shalt  }
0x60: {  	_ =	shalt  }
0x61: {  	_ =	shalt  }
0x62: {  	_ =	shalt  }
0x63: {  	_ =	shalt  }
0x64: {  	_ =	shalt  }
0x65: {  	_ =	shalt  }
0x66: {  	_ =	shalt  }
0x67: {  	_ =	shalt  }
0x68: {  	_ =	shalt  }
0x69: {  	_ =	shalt  }
0x6a: {  	_ =	shalt  }
0x6b: {  	_ =	shalt  }
0x6c: {  	_ =	shalt  }
0x6d: {  	_ =	shalt  }
0x6e: {  	_ =	shalt  }
0x6f: {  	_ =	shalt  }
0x70: {  	_ =	shalt  }
0x71: {  	_ =	shalt  }
0x72: {  	_ =	shalt  }
0x73: {  	_ =	shalt  }
0x74: {  	_ =	shalt  }
0x75: {  	_ =	shalt  }
0x76: {  	_ =	shalt  }
0x77: {  	_ =	shalt  }
0x78: {  	_ =	shalt  }
0x79: {  	_ =	shalt  }
0x7a: {  	_ =	shalt  }
0x7b: {  	_ =	shalt  }
0x7c: {  	_ =	shalt  }
0x7d: {  	_ =	shalt  }
0x7e: {  	_ =	shalt  }
0x7f: {  	_ =	shalt  }
0x80: {  	_ =	shalt  }
0x81: {  	_ =	shalt  }
0x82: {  	_ =	shalt  }
0x83: {  	_ =	shalt  }
0x84: {  	_ =	shalt  }
0x85: {  	_ =	shalt  }
0x86: {  	_ =	shalt  }
0x87: {  	_ =	shalt  }
.Lfunc_end0:
.L_simem_size_0:
called_computation.1_lowered:
.L_overlay_start_0:
0x88: {  	s2 =	sld [smem:$0x3FD9]  }
0x89: {  	s3 =	sld [smem:$0x3FFE];
	_ =	sdelay $0x1  }
0x8a: {  	s1 =	srdreg.scid  }
0x8b: {  	s0 =	sand.u32 $0x1, s1  }
0x8c: {  	s17 =	sshll.u32 s0, $0xA;
	s2 =	sadd.s32 s3, s2  }
0x8d: {  	s2 =	sadd.s32 s2, s17  }
0x8e: {  	[smem:$0x3FB7] =	sst s2  }
0x8f: {  	_ = 	snop  }
0x90: {  	s2 =	sld [smem:$0x3FD0];
	(tm) =	ssettm $0x1  }
0x91: {  	s18 =	sld [smem:$0x3FFB];
	_ =	sdelay $0x3  }
0x92: {  	_ =	strace s18  }
0x93: {  	s3 =	sld [smem:$0x3FFC];
	_ =	sdelay $0x3  }
0x94: {  	_ =	strace s3  }
0x95: {  	s3 =	sld [smem:$0x3FFD];
	_ =	sdelay $0x3  }
0x96: {  	_ =	strace s3  }
0x97: {  	_ =	strace $0x8FFFFFFF  }
0x98: {  	s19 =	sld [smem:$0x3FDB];
	_ =	sdelay $0x1  }
0x99: {  	s4 =	simm.s32 $_scs_section_size  }
0x9a: {  	s5 =	simm.s32 $_size__tile_overlayer_lowered;
	s6 =	simm.s32 $_tile_overlayer_lowered  }
0x9b: {  	s22 =	simm.s32 $0x1BFF;
	s21 =	sshll.u32 s6, $0x1;
	s3 =	sadd.s32 s4, s19  }
0x9c: {  	s7 =	simm.s32 $0x0;
	s20 =	sshll.u32 s5, $0x1;
	s5 =	sadd.s32 s21, s3  }
0x9d: {  	[timem:s7], [sflag:s22] =	dma.local [hbm:s5], s20  }
0x9e: {  	_ =	swait.ge [sflag:s22], s20  }
0x9f: {  	s4 =	ssub.s32 $0x0, s20;
	[sflag:s22] =	ssyncset.done $0x0  }
0xa0: {  	[sflag:s22] =	ssyncadd.s32 s4;
	_ =	sdelay $0x1  }
0xa1: {  	s23 =	simm.s32 $0x1B8B  }
0xa2: {  	_ =	swait.ge [sflag:s23], $0x1  }
0xa3: {  	[sflag:s23] =	ssyncset.done $0x0  }
0xa4: {  	s25 =	simm.s32 $0x1B8E;
	s24 =	sld [smem:$0x3FFE];
	[sflag:s23] =	ssyncadd.s32 $0xFFFFFFFF  }
0xa5: {  	s26 =	simm.s32 $execute0_lowered;
	[smem:$0x3FD2] =	sst s25  }
0xa6: {  	s5 =	sshll.u32 s26, $0x1;
	_ =	strace $0x80000049;
	[dreg:$0x1] =	wrdreg $0xFFFFFFFF  }
0xa7: {  	s28 =	simm.s32 $_size_execute0_lowered;
	s3 =	sadd.s32 s3, s5;
	[dreg:$0x0] =	wrdreg $0x0  }
0xa8: {  	s5 =	sshll.u32 s28, $0x1;
	[dreg:$0x2] =	wrdreg s3  }
0xa9: {  	[dreg:$0x3] =	wrdreg s5  }
0xaa: {  	[dreg:$0x4] =	wrdreg $0xC0  }
0xab: {  	_ =	task [dreg:s7], $0x5FFFF  }
0xac: {  	[dreg:$0x1] =	wrdreg $0xFFFFFFFF  }
0xad: {  	[dreg:$0x0] =	wrdreg $0x60  }
0xae: {  	[dreg:$0x2] =	wrdreg s24  }
0xaf: {  	[dreg:$0x3] =	wrdreg s2  }
0xb0: {  	[dreg:$0x4] =	wrdreg $0xA0000  }
0xb1: {  	[dreg:$0x5] =	wrdreg $0x9  }
0xb2: {  	_ =	task.clear_ibuf [dreg:s7], $0x6FFFF;
	_ =	strace $0x90000049  }
0xb3: {  	s29 =	simm.s32 $0x9;
	_ =	strace $0x8000004B  }
0xb4: {  	_ =	swait.ge [sflag:s29], $0x1  }
0xb5: {  	[sflag:s29] =	ssyncadd.s32 $0xFFFFFFFF  }
0xb6: {  	_ =	strace $0x9000004B  }
0xb7: {  	_ =	sfence  }
0xb8: {  	s30 =	sld [smem:$0x0];
	_ =	sdelay $0x2  }
0xb9: {  	s31 =	sshll.u32 s1, $0xD;
	s1 =	sshrl.u32 s1, $0x2  }
0xba: {  	s3 =	sand.u32 $0x4000, s31;
	s1 =	sadd.s32 s1, s30  }
0xbb: {  	s0 =	sor.u32 s3, s0;
	s1 =	sshll.u32 s1, $0x11  }
0xbc: {  	s0 =	sor.u32 s1, s0  }
0xbd: {  	s0 =	sadd.s32 $0x8F2B, s0  }
0xbe: {  	[sflag:s0] =	ssyncadd.remote.s32 $0x1  }
0xbf: {  	_ =	sfence.sel $0xFFFF  }
0xc0: {  	[dreg:$0x0] =	wrdreg $0xFFFFFFFF;
	(pc) =	sbr.abs _section_cstart, $3  }
0xc1: {  	[dreg:$0x1] =	wrdreg $0xFFFFFFFF  }
0xc2: {  	_ =	task.clear_ibuf [dreg:s7], $0x2FFFF;
	_ =	strace $0x9FFFFFFF  }
0xc3: {  	(tm) =	ssettm $0x7FFFFFFF  }
tec
execute0_lowered:
.L_overlay_start_1:
0x0: {  	(tag) =	ssettag $0x1  }
0x1: {  	s5 =	rddreg [dreg:$0x0]  }
0x2: {  	s0 =	srdreg.scid;
	s8 =	rddreg [dreg:$0x1]  }
0x3: {  	s2 =	rddreg [dreg:$0x2];
	s6 =	sand.u32 $0x1, s0  }
0x4: {  	s0 =	stileid.u32;
	s4 =	smul.u32 $0x30000, s6  }
0x5: {  	s1 =	rddreg [dreg:$0x3];
	s7 =	smul.u32 $0x3000, s0  }
0x6: {  	s3 =	simm.s32 $0x0;
	s16 =	simm.s32 $0x1;
	s28 =	smul.u32 $0x13C00, s0  }
0x7: {  	s17 =	simm.s32 $0x0;
	[smem:$0x7FF] =	sst s3;
	s10 =	smul.u32 $0x13C000, s6  }
0x8: {  	_ =	strace $0x8000004A;
	s29 =	ssub.s32 $0x2, s6;
	s14 =	smul.u32 $0x4F000, s0  }
0x9: {  	p0 =	seq.s32 s6, $0x0;
	s31 =	sshll.u32 s0, $0x6;
	s13 =	sshrl.u32 s29, $0x1  }
0xa: {  	s4 =	sadd.s32 s7, s4;
	s12 =	sshrl.u32 s28, $0x3;
	s7 =	sadd.s32 s28, s10  }
0xb: {  	s13 =	ssub.s32 s29, s13;
	s30 =	sshrl.u32 s14, $0x2;
	s9 =	sshrl.u32 s4, $0x3  }
0xc: {  	s4 =	sadd.s32 $0x36400, s5;
	s7 =	sshrl.u32 s7, $0x3;
	s12 =	sadd.s32 s12, s5  }
0xd: {  	s14 =	sadd.s32 s30, s2;
	s11 =	sadd.s32 s9, s5;
	s15 =	sadd.s32 s7, s5  }
0xe: {  	s5 =	simm.s32 $0x60;
	s6 =	sadd.s32 $0xEC00, s12;
	s7 =	sor.u32 $0x1C02, s31  }
0xf: {  	s8 =	sadd.s32 s8, s9;
	s12 =	sshrl.u32 s14, $0x3;
	s14 =	simm.s32 $0x80  }
0x10: {  	s5 =	simm.s32 @!p0 $0x42;
	s9 =	sadd.s32 $0x85400, s11;
	s10 =	sadd.s32 $0x91400, s15  }
0x11: {  	s11 =	smax.u32 s13, $0x1;
	s13 =	simm.s32 $0x2;
	s15 =	simm.s32 $0x6000  }
.LBB2_1:
0x12: {  	[spmem:s12], [sflag:s7] =	dma.local [hbm:s6], $0x2780  }
0x13: {  	_ =	swait.ge [sflag:s13], $0x2780  }
0x14: {  	[sflag:s13] =	ssyncset.done $0x0  }
0x15: {  	[sflag:s13] =	ssyncadd.s32 $0xFFFFD880  }
0x16: {  	[tilespmem:s3], [sflag:$0x2] =	stream.linear.gather [hbm4b:s8+s3], $0x3000, $0x38;
	[tilespmem:$0x1DC00] =	vst v63  }
0x17: {  	_ =	swait.ge [sflag:s13], $0x3000  }
0x18: {  	[sflag:s13] =	ssyncset.done $0x0  }
0x19: {  	s18 =	simm.s32 $0x3000;
	[sflag:s13] =	ssyncadd.s32 $0xFFFFD000  }
0x1a: {  	[tilespmem:s18], [sflag:$0x2] =	stream.linear.gather [hbm4b:s9+s3], $0x3000, $0x38;
	[tilespmem:$0x1DC00] =	vst v63  }
0x1b: {  	_ =	swait.ge [sflag:s13], $0x3000  }
0x1c: {  	[sflag:s13] =	ssyncset.done $0x0  }
0x1d: {  	[sflag:s13] =	ssyncadd.s32 $0xFFFFD000  }
0x1e: {  	[bflag:$0x0] =	sbarrier.arrive $0xFFFF  }
0x1f: {  	[tilespmem:s15], [sflag:$0x1] =	stream.indirect.gather [hbm4b:s4+s14], $0x80, s3, s14, $0xb8;
	[tilespmem:$0x1DC00] =	vst v63  }
0x20: {  	p0 =	sne.s32 s5, $0x1;
	_ =	swait.ge [sflag:s16], $0x4000  }
.Ltmp0:
0x21: {  	[sflag:s16] =	ssyncset.done $0x0;
	(pc) =	sbr.rel @!p0 .LBB2_3-.Ltmp0, $4  }
0x22: {  	[sflag:s16] =	ssyncadd.s32 $0xFFFFC000  }
0x23: {  	[spmem:s2] =	stream.indirect.scatter.add.f32 [tilespmem:s15], [sflag:$0x2], $0x80, s18, s14, $0xb8;
	[tilespmem:$0x1DC00] =	vst v63  }
0x24: {  	_ =	swait.ge [sflag:s13], $0x4000  }
0x25: {  	s19 =	sadd.s32 $0xFFFFFFFF, s5;
	s20 =	simm.s32 $0x0;
	[sflag:s13] =	ssyncset.done $0x0  }
.LBB2_2:
0x26: {  	[sflag:s13] =	ssyncadd.s32 $0xFFFFC000;
	s20 =	sadd.s32 $0x80, s20;
	s18 =	sadd.s32 $0x80, s18  }
0x27: {  	[tilespmem:s15], [sflag:$0x1] =	stream.indirect.gather [hbm4b:s4+s14], $0x80, s20, s14, $0xb8;
	[tilespmem:$0x1DC00] =	vst v63  }
0x28: {  	p0 =	sne.s32 s19, $0x1;
	s19 =	sadd.s32 $0xFFFFFFFF, s19;
	_ =	swait.ge [sflag:s16], $0x4000  }
.Ltmp1:
0x29: {  	[sflag:s16] =	ssyncset.done $0x0;
	(pc) =	sbr.rel @p0 .LBB2_2-.Ltmp1, $4  }
0x2a: {  	[sflag:s16] =	ssyncadd.s32 $0xFFFFC000  }
0x2b: {  	[spmem:s2] =	stream.indirect.scatter.add.f32 [tilespmem:s15], [sflag:$0x2], $0x80, s18, s14, $0xb8;
	[tilespmem:$0x1DC00] =	vst v63  }
0x2c: {  	_ =	swait.ge [sflag:s13], $0x4000  }
0x2d: {  	[sflag:s13] =	ssyncset.done $0x0  }
.LBB2_3:
0x2e: {  	s17 =	sadd.s32 $0x1, s17  }
0x2f: {  	[sflag:s13] =	ssyncadd.s32 $0xFFFFC000;
	p0 =	sne.s32 s17, s11  }
.Ltmp2:
0x30: {  	[bflag:$0x0] =	sbarrier.arrive $0xFFFF;
	(pc) =	sbr.rel @p0 .LBB2_1-.Ltmp2, $4  }
0x31: {  	[hbm:s10], [sflag:s7] =	dma.local [spmem:s12], $0x2780  }
0x32: {  	_ =	swait.ge [sflag:s13], $0x2780  }
0x33: {  	[sflag:s13] =	ssyncset.done $0x0  }
0x34: {  	[sflag:s13] =	ssyncadd.s32 $0xFFFFD880  }
0x35: {  	_ =	sfence.sel $0x180000  }
0x36: {  	[bflag:$0x0] =	sbarrier.arrive $0xFFFF  }
0x37: {  	p0 =	sne.s32 s0, $0x0;
	_ =	strace $0x9000004A  }
0x38: {  	s0 =	sadd.s32 @!p0 $0x100000, s1;
	[bflag:$0x2] =	sbarrier.arrive $0xFFFF  }
0x39: {  	[sflag:s0] =	ssyncadd.tile.s32 @!p0 $0x1;
	_ =	shalt  }
.Lfunc_end2:
_tile_overlayer_lowered:
.L_overlay_start_2:
0x3a: {  	(tag) =	ssettag $0x2  }
0x3b: {  	s0 =	rddreg [dreg:$0x0];
	s2 =	stileid.u32  }
0x3c: {  	s1 =	rddreg [dreg:$0x1];
	p0 =	sne.s32 s2, $0x0  }
0x3d: {  	s3 =	rddreg [dreg:$0x2];
	[bflag:$0x3] =	sbarrier.arrive $0xFFFF;
	s2 =	simm.s32 @!p0 $0x1C02  }
0x3e: {  	[timem:s3], [sflag:s2] =	dma.local @!p0 [hbm:s0], s1  }
0x3f: {  	s0 =	simm.s32 @!p0 $0x2  }
0x40: {  	_ =	swait.ge @!p0 [sflag:s0], s1  }
0x41: {  	s1 =	ssub.s32 @!p0 $0x0, s1;
	[sflag:s0] =	ssyncset.done @!p0 $0x0  }
0x42: {  	[sflag:s0] =	ssyncadd.s32 @!p0 s1  }
0x43: {  	[bflag:$0x3] =	sbarrier.arrive $0xFFFF  }
0x44: {  	_ =	shalt  }

// kernel: kernel.16.cloned.1.call-start
scs
__scs_entry_jumppad:
0x0: {  	(pc) =	sbr.rel $0x88, $3  }
0x1: {  	(tag) =	ssettag $0x0;
	lr =	simm.s32 $0x1  }
0x2: {  	[smem:$0x3F90] =	sst lr;
	_ =	strace $0xD0000000  }
0x3: {  	_ = 	snop  }
0x4: {  	_ = 	snop  }
0x5: {  	_ = 	snop  }
0x6: {  	_ = 	snop  }
0x7: {  	_ = 	snop  }
__scs_overlays_trampoline_lowered:
0x8: {  	[smem:$0x3F9F] =	sst s0  }
0x9: {  	[smem:$0x3FA0] =	sst s1  }
0xa: {  	[smem:$0x3FA1] =	sst s2  }
0xb: {  	[smem:$0x3FA2] =	sst s3  }
0xc: {  	[smem:$0x3FA3] =	sst s4  }
0xd: {  	[smem:$0x3FA4] =	sst s5  }
0xe: {  	[smem:$0x3FA5] =	sst s6  }
0xf: {  	[smem:$0x3FA6] =	sst s7  }
0x10: {  	[smem:$0x3FA7] =	sst s8  }
0x11: {  	[smem:$0x3FA8] =	sst s9;
	s0 =	simm.s32 @!p0 $0x0  }
0x12: {  	s1 =	sld [smem:$0x3F8E];
	s0 =	simm.s32 @p0 $0x1  }
0x13: {  	[smem:$0x3FA9] =	sst s0;
	s0 =	simm.s32 @!p1 $0x0  }
0x14: {  	s2 =	sld [smem:$0x3F8D];
	s0 =	simm.s32 @p1 $0x1  }
0x15: {  	[smem:$0x3FAA] =	sst s0;
	s0 =	simm.s32 @!p2 $0x0  }
0x16: {  	s3 =	sld [smem:$0x3FDB];
	s0 =	simm.s32 @p2 $0x1  }
0x17: {  	s4 =	simm.s32 $0x1BF5;
	[smem:$0x3FAC] =	sst s0  }
0x18: {  	s0 =	sld [smem:$0x3F8F];
	_ =	swait.ge [sflag:s4], $0x0  }
0x19: {  	s7 =	sld [smem:$0x3F90]  }
0x1a: {  	s8 =	sadd.s32 $0xFFFFE003, lr  }
0x1b: {  	s9 =	sadd.s32 $0xFFFFFEF7, lr;
	s5 =	simm.s32 $0xFFFFFFFF;
	p2 =	slt.u32 s8, $0xFFFFF086  }
0x1c: {  	p1 =	slt.u32 s9, $0xF7A;
	s5 =	simm.s32 @!p2 $0x0  }
0x1d: {  	s5 =	simm.s32 @p1 $0x1;
	p0 =	seq.s32 s7, s2  }
0x1e: {  	s7 =	smul.u32 @!p0 $0xF7A, s2;
	p2 =	seq.s32 @!p0 s5, $0x0  }
0x1f: {  	s9 =	smul.u32 $0xF7A, s1;
	s8 =	simm.s32 @!p0 $0x1BF5;
	p2 =	por !p2, p0  }
0x20: {  	[sflag:s8] =	ssyncset.s32 @!p0 $0xFFFFF086;
	s6 =	sadd.s32 @!p0 s3, s7;
	s7 =	simm.s32 @!p0 $0x108  }
0x21: {  	s3 =	sadd.s32 s3, s9;
	s6 =	sadd.s32 @!p0 $0x88, s6;
	s7 =	simm.s32 @p2 $0x1082  }
0x22: {  	[simem:s7], [sflag:s8] =	dma.local @!p0 [hbm:s6], $0xF7A  }
0x23: {  	s9 =	sor.u32 $0xD0000000, s2;
	s6 =	simm.s32 $0x108;
	_ =	swait.ge @!p0 [sflag:s8], $0x0  }
0x24: {  	s3 =	sadd.s32 $0x88, s3;
	s6 =	simm.s32 @!p1 $0x1082;
	[sflag:s4] =	ssyncset.s32 $0xFFFFF086  }
0x25: {  	[simem:s6], [sflag:s4] =	dma.local [hbm:s3], $0xF7A  }
0x26: {  	[smem:$0x3F90] =	sst s1;
	(tag) =	ssettag s2;
	_ =	strace s9  }
0x27: {  	s1 =	sld [smem:$0x3FA0]  }
0x28: {  	s2 =	sld [smem:$0x3FA1]  }
0x29: {  	s4 =	sld [smem:$0x3FA3]  }
0x2a: {  	p0 =	seq.s32 s5, $0x0;
	s5 =	sld [smem:$0x3FA4]  }
0x2b: {  	s6 =	sld [smem:$0x3FA5]  }
0x2c: {  	s7 =	sld [smem:$0x3FA6]  }
0x2d: {  	s3 =	simm.s32 $0x108;
	s8 =	sld [smem:$0x3FA7]  }
0x2e: {  	s3 =	simm.s32 @!p0 $0x1082;
	s9 =	sld [smem:$0x3FA8]  }
0x2f: {  	lr =	sadd.s32 s0, s3;
	s0 =	sld [smem:$0x3F9F]  }
0x30: {  	s3 =	sld [smem:$0x3FA2]  }
0x31: {  	[smem:$0x3FAB] =	sst s10  }
0x32: {  	s10 =	sld [smem:$0x3FA9];
	_ =	sdelay $0x3  }
0x33: {  	p0 =	seq.s32 s10, $0x1;
	s10 =	sld [smem:$0x3FAB];
	_ =	sdelay $0x3  }
0x34: {  	[smem:$0x3FAB] =	sst s10  }
0x35: {  	s10 =	sld [smem:$0x3FAA];
	_ =	sdelay $0x3  }
0x36: {  	p1 =	seq.s32 s10, $0x1;
	s10 =	sld [smem:$0x3FAB];
	_ =	sdelay $0x3  }
0x37: {  	[smem:$0x3FAB] =	sst s10  }
0x38: {  	s10 =	sld [smem:$0x3FAC]  }
0x39: {  	_ = 	snop;
	(pc) =	sbr.ind lr, $3  }
0x3a: {  	_ = 	snop  }
0x3b: {  	_ = 	snop  }
0x3c: {  	p2 =	seq.s32 s10, $0x1;
	s10 =	sld [smem:$0x3FAB]  }
0x3d: {  	_ =	shalt  }
0x3e: {  	_ =	shalt  }
0x3f: {  	_ =	shalt  }
0x40: {  	_ =	shalt  }
0x41: {  	_ =	shalt  }
0x42: {  	_ =	shalt  }
0x43: {  	_ =	shalt  }
0x44: {  	_ =	shalt  }
0x45: {  	_ =	shalt  }
0x46: {  	_ =	shalt  }
0x47: {  	_ =	shalt  }
0x48: {  	_ =	shalt  }
0x49: {  	_ =	shalt  }
0x4a: {  	_ =	shalt  }
0x4b: {  	_ =	shalt  }
0x4c: {  	_ =	shalt  }
0x4d: {  	_ =	shalt  }
0x4e: {  	_ =	shalt  }
0x4f: {  	_ =	shalt  }
0x50: {  	_ =	shalt  }
0x51: {  	_ =	shalt  }
0x52: {  	_ =	shalt  }
0x53: {  	_ =	shalt  }
0x54: {  	_ =	shalt  }
0x55: {  	_ =	shalt  }
0x56: {  	_ =	shalt  }
0x57: {  	_ =	shalt  }
0x58: {  	_ =	shalt  }
0x59: {  	_ =	shalt  }
0x5a: {  	_ =	shalt  }
0x5b: {  	_ =	shalt  }
0x5c: {  	_ =	shalt  }
0x5d: {  	_ =	shalt  }
0x5e: {  	_ =	shalt  }
0x5f: {  	_ =	shalt  }
0x60: {  	_ =	shalt  }
0x61: {  	_ =	shalt  }
0x62: {  	_ =	shalt  }
0x63: {  	_ =	shalt  }
0x64: {  	_ =	shalt  }
0x65: {  	_ =	shalt  }
0x66: {  	_ =	shalt  }
0x67: {  	_ =	shalt  }
0x68: {  	_ =	shalt  }
0x69: {  	_ =	shalt  }
0x6a: {  	_ =	shalt  }
0x6b: {  	_ =	shalt  }
0x6c: {  	_ =	shalt  }
0x6d: {  	_ =	shalt  }
0x6e: {  	_ =	shalt  }
0x6f: {  	_ =	shalt  }
0x70: {  	_ =	shalt  }
0x71: {  	_ =	shalt  }
0x72: {  	_ =	shalt  }
0x73: {  	_ =	shalt  }
0x74: {  	_ =	shalt  }
0x75: {  	_ =	shalt  }
0x76: {  	_ =	shalt  }
0x77: {  	_ =	shalt  }
0x78: {  	_ =	shalt  }
0x79: {  	_ =	shalt  }
0x7a: {  	_ =	shalt  }
0x7b: {  	_ =	shalt  }
0x7c: {  	_ =	shalt  }
0x7d: {  	_ =	shalt  }
0x7e: {  	_ =	shalt  }
0x7f: {  	_ =	shalt  }
0x80: {  	_ =	shalt  }
0x81: {  	_ =	shalt  }
0x82: {  	_ =	shalt  }
0x83: {  	_ =	shalt  }
0x84: {  	_ =	shalt  }
0x85: {  	_ =	shalt  }
0x86: {  	_ =	shalt  }
0x87: {  	_ =	shalt  }
.Lfunc_end0:
.L_simem_size_0:
called_computation.2_lowered:
.L_overlay_start_0:
0x88: {  	s2 =	sld [smem:$0x3FD9]  }
0x89: {  	s3 =	sld [smem:$0x3FFE];
	_ =	sdelay $0x1  }
0x8a: {  	s1 =	srdreg.scid  }
0x8b: {  	s0 =	sand.u32 $0x1, s1  }
0x8c: {  	s17 =	sshll.u32 s0, $0xA;
	s2 =	sadd.s32 s3, s2  }
0x8d: {  	s2 =	sadd.s32 s2, s17  }
0x8e: {  	[smem:$0x3FB7] =	sst s2  }
0x8f: {  	_ = 	snop  }
0x90: {  	s2 =	sld [smem:$0x3FD0];
	(tm) =	ssettm $0x1  }
0x91: {  	s18 =	sld [smem:$0x3FFB];
	_ =	sdelay $0x3  }
0x92: {  	_ =	strace s18  }
0x93: {  	s3 =	sld [smem:$0x3FFC];
	_ =	sdelay $0x3  }
0x94: {  	_ =	strace s3  }
0x95: {  	s3 =	sld [smem:$0x3FFD];
	_ =	sdelay $0x3  }
0x96: {  	_ =	strace s3  }
0x97: {  	_ =	strace $0x8FFFFFFF  }
0x98: {  	s19 =	sld [smem:$0x3FDB];
	_ =	sdelay $0x1  }
0x99: {  	s4 =	simm.s32 $_scs_section_size  }
0x9a: {  	s5 =	simm.s32 $_size__tile_overlayer_lowered;
	s6 =	simm.s32 $_tile_overlayer_lowered  }
0x9b: {  	s22 =	simm.s32 $0x1BFF;
	s21 =	sshll.u32 s6, $0x1;
	s3 =	sadd.s32 s4, s19  }
0x9c: {  	s7 =	simm.s32 $0x0;
	s20 =	sshll.u32 s5, $0x1;
	s5 =	sadd.s32 s21, s3  }
0x9d: {  	[timem:s7], [sflag:s22] =	dma.local [hbm:s5], s20  }
0x9e: {  	_ =	swait.ge [sflag:s22], s20  }
0x9f: {  	s4 =	ssub.s32 $0x0, s20;
	[sflag:s22] =	ssyncset.done $0x0  }
0xa0: {  	[sflag:s22] =	ssyncadd.s32 s4;
	_ =	sdelay $0x1  }
0xa1: {  	s23 =	simm.s32 $0x1B8B  }
0xa2: {  	_ =	swait.ge [sflag:s23], $0x1  }
0xa3: {  	[sflag:s23] =	ssyncset.done $0x0  }
0xa4: {  	s25 =	simm.s32 $0x1B8E;
	s24 =	sld [smem:$0x3FFE];
	[sflag:s23] =	ssyncadd.s32 $0xFFFFFFFF  }
0xa5: {  	s26 =	simm.s32 $execute0_lowered;
	[smem:$0x3FD2] =	sst s25  }
0xa6: {  	s5 =	sshll.u32 s26, $0x1;
	_ =	strace $0x8000004C;
	[dreg:$0x1] =	wrdreg $0xFFFFFFFF  }
0xa7: {  	s28 =	simm.s32 $_size_execute0_lowered;
	s3 =	sadd.s32 s3, s5;
	[dreg:$0x0] =	wrdreg $0x0  }
0xa8: {  	s5 =	sshll.u32 s28, $0x1;
	[dreg:$0x2] =	wrdreg s3  }
0xa9: {  	[dreg:$0x3] =	wrdreg s5  }
0xaa: {  	[dreg:$0x4] =	wrdreg $0xC0  }
0xab: {  	_ =	task [dreg:s7], $0x5FFFF  }
0xac: {  	[dreg:$0x1] =	wrdreg $0xFFFFFFFF  }
0xad: {  	[dreg:$0x0] =	wrdreg $0x60  }
0xae: {  	[dreg:$0x2] =	wrdreg s24  }
0xaf: {  	[dreg:$0x3] =	wrdreg s2  }
0xb0: {  	[dreg:$0x4] =	wrdreg $0xA0000  }
0xb1: {  	[dreg:$0x5] =	wrdreg $0x9  }
0xb2: {  	_ =	task.clear_ibuf [dreg:s7], $0x6FFFF;
	_ =	strace $0x9000004C  }
0xb3: {  	s29 =	simm.s32 $0x9;
	_ =	strace $0x8000004E  }
0xb4: {  	_ =	swait.ge [sflag:s29], $0x1  }
0xb5: {  	[sflag:s29] =	ssyncadd.s32 $0xFFFFFFFF  }
0xb6: {  	_ =	strace $0x9000004E  }
0xb7: {  	_ =	sfence  }
0xb8: {  	s30 =	sld [smem:$0x0];
	_ =	sdelay $0x2  }
0xb9: {  	s31 =	sshll.u32 s1, $0xD;
	s1 =	sshrl.u32 s1, $0x2  }
0xba: {  	s3 =	sand.u32 $0x4000, s31;
	s1 =	sadd.s32 s1, s30  }
0xbb: {  	s0 =	sor.u32 s3, s0;
	s1 =	sshll.u32 s1, $0x11  }
0xbc: {  	s0 =	sor.u32 s1, s0  }
0xbd: {  	s0 =	sadd.s32 $0x8F2B, s0  }
0xbe: {  	[sflag:s0] =	ssyncadd.remote.s32 $0x1  }
0xbf: {  	_ =	sfence.sel $0xFFFF  }
0xc0: {  	[dreg:$0x0] =	wrdreg $0xFFFFFFFF;
	(pc) =	sbr.abs _section_cstart, $3  }
0xc1: {  	[dreg:$0x1] =	wrdreg $0xFFFFFFFF  }
0xc2: {  	_ =	task.clear_ibuf [dreg:s7], $0x2FFFF;
	_ =	strace $0x9FFFFFFF  }
0xc3: {  	(tm) =	ssettm $0x7FFFFFFF  }
tec
execute0_lowered:
.L_overlay_start_1:
0x0: {  	(tag) =	ssettag $0x1  }
0x1: {  	s5 =	rddreg [dreg:$0x0]  }
0x2: {  	s0 =	srdreg.scid;
	s8 =	rddreg [dreg:$0x1]  }
0x3: {  	s2 =	rddreg [dreg:$0x2];
	s6 =	sand.u32 $0x1, s0  }
0x4: {  	s0 =	stileid.u32;
	s4 =	smul.u32 $0x30000, s6  }
0x5: {  	s1 =	rddreg [dreg:$0x3];
	s7 =	smul.u32 $0x3000, s0  }
0x6: {  	s3 =	simm.s32 $0x0;
	s16 =	simm.s32 $0x1;
	s28 =	smul.u32 $0x13C00, s0  }
0x7: {  	s17 =	simm.s32 $0x0;
	[smem:$0x7FF] =	sst s3;
	s10 =	smul.u32 $0x13C000, s6  }
0x8: {  	_ =	strace $0x8000004D;
	s29 =	ssub.s32 $0x2, s6;
	s14 =	smul.u32 $0x4F000, s0  }
0x9: {  	p0 =	seq.s32 s6, $0x0;
	s31 =	sshll.u32 s0, $0x6;
	s13 =	sshrl.u32 s29, $0x1  }
0xa: {  	s4 =	sadd.s32 s7, s4;
	s12 =	sshrl.u32 s28, $0x3;
	s7 =	sadd.s32 s28, s10  }
0xb: {  	s13 =	ssub.s32 s29, s13;
	s30 =	sshrl.u32 s14, $0x2;
	s9 =	sshrl.u32 s4, $0x3  }
0xc: {  	s4 =	sadd.s32 $0x36400, s5;
	s7 =	sshrl.u32 s7, $0x3;
	s12 =	sadd.s32 s12, s5  }
0xd: {  	s14 =	sadd.s32 s30, s2;
	s11 =	sadd.s32 s9, s5;
	s15 =	sadd.s32 s7, s5  }
0xe: {  	s5 =	simm.s32 $0x60;
	s6 =	sadd.s32 $0xEC00, s12;
	s7 =	sor.u32 $0x1C02, s31  }
0xf: {  	s8 =	sadd.s32 s8, s9;
	s12 =	sshrl.u32 s14, $0x3;
	s14 =	simm.s32 $0x80  }
0x10: {  	s5 =	simm.s32 @!p0 $0x42;
	s9 =	sadd.s32 $0x85400, s11;
	s10 =	sadd.s32 $0x91400, s15  }
0x11: {  	s11 =	smax.u32 s13, $0x1;
	s13 =	simm.s32 $0x2;
	s15 =	simm.s32 $0x6000  }
.LBB2_1:
0x12: {  	[spmem:s12], [sflag:s7] =	dma.local [hbm:s6], $0x2780  }
0x13: {  	_ =	swait.ge [sflag:s13], $0x2780  }
0x14: {  	[sflag:s13] =	ssyncset.done $0x0  }
0x15: {  	[sflag:s13] =	ssyncadd.s32 $0xFFFFD880  }
0x16: {  	[tilespmem:s3], [sflag:$0x2] =	stream.linear.gather [hbm4b:s8+s3], $0x3000, $0x38;
	[tilespmem:$0x1DC00] =	vst v63  }
0x17: {  	_ =	swait.ge [sflag:s13], $0x3000  }
0x18: {  	[sflag:s13] =	ssyncset.done $0x0  }
0x19: {  	s18 =	simm.s32 $0x3000;
	[sflag:s13] =	ssyncadd.s32 $0xFFFFD000  }
0x1a: {  	[tilespmem:s18], [sflag:$0x2] =	stream.linear.gather [hbm4b:s9+s3], $0x3000, $0x38;
	[tilespmem:$0x1DC00] =	vst v63  }
0x1b: {  	_ =	swait.ge [sflag:s13], $0x3000  }
0x1c: {  	[sflag:s13] =	ssyncset.done $0x0  }
0x1d: {  	[sflag:s13] =	ssyncadd.s32 $0xFFFFD000  }
0x1e: {  	[bflag:$0x0] =	sbarrier.arrive $0xFFFF  }
0x1f: {  	[tilespmem:s15], [sflag:$0x1] =	stream.indirect.gather [hbm4b:s4+s14], $0x80, s3, s14, $0xb8;
	[tilespmem:$0x1DC00] =	vst v63  }
0x20: {  	p0 =	sne.s32 s5, $0x1;
	_ =	swait.ge [sflag:s16], $0x4000  }
.Ltmp0:
0x21: {  	[sflag:s16] =	ssyncset.done $0x0;
	(pc) =	sbr.rel @!p0 .LBB2_3-.Ltmp0, $4  }
0x22: {  	[sflag:s16] =	ssyncadd.s32 $0xFFFFC000  }
0x23: {  	[spmem:s2] =	stream.indirect.scatter.add.f32 [tilespmem:s15], [sflag:$0x2], $0x80, s18, s14, $0xb8;
	[tilespmem:$0x1DC00] =	vst v63  }
0x24: {  	_ =	swait.ge [sflag:s13], $0x4000  }
0x25: {  	s19 =	sadd.s32 $0xFFFFFFFF, s5;
	s20 =	simm.s32 $0x0;
	[sflag:s13] =	ssyncset.done $0x0  }
.LBB2_2:
0x26: {  	[sflag:s13] =	ssyncadd.s32 $0xFFFFC000;
	s20 =	sadd.s32 $0x80, s20;
	s18 =	sadd.s32 $0x80, s18  }
0x27: {  	[tilespmem:s15], [sflag:$0x1] =	stream.indirect.gather [hbm4b:s4+s14], $0x80, s20, s14, $0xb8;
	[tilespmem:$0x1DC00] =	vst v63  }
0x28: {  	p0 =	sne.s32 s19, $0x1;
	s19 =	sadd.s32 $0xFFFFFFFF, s19;
	_ =	swait.ge [sflag:s16], $0x4000  }
.Ltmp1:
0x29: {  	[sflag:s16] =	ssyncset.done $0x0;
	(pc) =	sbr.rel @p0 .LBB2_2-.Ltmp1, $4  }
0x2a: {  	[sflag:s16] =	ssyncadd.s32 $0xFFFFC000  }
0x2b: {  	[spmem:s2] =	stream.indirect.scatter.add.f32 [tilespmem:s15], [sflag:$0x2], $0x80, s18, s14, $0xb8;
	[tilespmem:$0x1DC00] =	vst v63  }
0x2c: {  	_ =	swait.ge [sflag:s13], $0x4000  }
0x2d: {  	[sflag:s13] =	ssyncset.done $0x0  }
.LBB2_3:
0x2e: {  	s17 =	sadd.s32 $0x1, s17  }
0x2f: {  	[sflag:s13] =	ssyncadd.s32 $0xFFFFC000;
	p0 =	sne.s32 s17, s11  }
.Ltmp2:
0x30: {  	[bflag:$0x0] =	sbarrier.arrive $0xFFFF;
	(pc) =	sbr.rel @p0 .LBB2_1-.Ltmp2, $4  }
0x31: {  	[hbm:s10], [sflag:s7] =	dma.local [spmem:s12], $0x2780  }
0x32: {  	_ =	swait.ge [sflag:s13], $0x2780  }
0x33: {  	[sflag:s13] =	ssyncset.done $0x0  }
0x34: {  	[sflag:s13] =	ssyncadd.s32 $0xFFFFD880  }
0x35: {  	_ =	sfence.sel $0x180000  }
0x36: {  	[bflag:$0x0] =	sbarrier.arrive $0xFFFF  }
0x37: {  	p0 =	sne.s32 s0, $0x0;
	_ =	strace $0x9000004D  }
0x38: {  	s0 =	sadd.s32 @!p0 $0x100000, s1;
	[bflag:$0x2] =	sbarrier.arrive $0xFFFF  }
0x39: {  	[sflag:s0] =	ssyncadd.tile.s32 @!p0 $0x1;
	_ =	shalt  }
.Lfunc_end2:
_tile_overlayer_lowered:
.L_overlay_start_2:
0x3a: {  	(tag) =	ssettag $0x2  }
0x3b: {  	s0 =	rddreg [dreg:$0x0];
	s2 =	stileid.u32  }
0x3c: {  	s1 =	rddreg [dreg:$0x1];
	p0 =	sne.s32 s2, $0x0  }
0x3d: {  	s3 =	rddreg [dreg:$0x2];
	[bflag:$0x3] =	sbarrier.arrive $0xFFFF;
	s2 =	simm.s32 @!p0 $0x1C02  }
0x3e: {  	[timem:s3], [sflag:s2] =	dma.local @!p0 [hbm:s0], s1  }
0x3f: {  	s0 =	simm.s32 @!p0 $0x2  }
0x40: {  	_ =	swait.ge @!p0 [sflag:s0], s1  }
0x41: {  	s1 =	ssub.s32 @!p0 $0x0, s1;
	[sflag:s0] =	ssyncset.done @!p0 $0x0  }
0x42: {  	[sflag:s0] =	ssyncadd.s32 @!p0 s1  }
0x43: {  	[bflag:$0x3] =	sbarrier.arrive $0xFFFF  }
0x44: {  	_ =	shalt  }

// kernel: kernel.19.cloned.1.call-start
scs
__scs_entry_jumppad:
0x0: {  	(pc) =	sbr.rel $0x88, $3  }
0x1: {  	(tag) =	ssettag $0x0;
	lr =	simm.s32 $0x1  }
0x2: {  	[smem:$0x3F90] =	sst lr;
	_ =	strace $0xD0000000  }
0x3: {  	_ = 	snop  }
0x4: {  	_ = 	snop  }
0x5: {  	_ = 	snop  }
0x6: {  	_ = 	snop  }
0x7: {  	_ = 	snop  }
__scs_overlays_trampoline_lowered:
0x8: {  	[smem:$0x3F9F] =	sst s0  }
0x9: {  	[smem:$0x3FA0] =	sst s1  }
0xa: {  	[smem:$0x3FA1] =	sst s2  }
0xb: {  	[smem:$0x3FA2] =	sst s3  }
0xc: {  	[smem:$0x3FA3] =	sst s4  }
0xd: {  	[smem:$0x3FA4] =	sst s5  }
0xe: {  	[smem:$0x3FA5] =	sst s6  }
0xf: {  	[smem:$0x3FA6] =	sst s7  }
0x10: {  	[smem:$0x3FA7] =	sst s8  }
0x11: {  	[smem:$0x3FA8] =	sst s9;
	s0 =	simm.s32 @!p0 $0x0  }
0x12: {  	s1 =	sld [smem:$0x3F8E];
	s0 =	simm.s32 @p0 $0x1  }
0x13: {  	[smem:$0x3FA9] =	sst s0;
	s0 =	simm.s32 @!p1 $0x0  }
0x14: {  	s2 =	sld [smem:$0x3F8D];
	s0 =	simm.s32 @p1 $0x1  }
0x15: {  	[smem:$0x3FAA] =	sst s0;
	s0 =	simm.s32 @!p2 $0x0  }
0x16: {  	s3 =	sld [smem:$0x3FDB];
	s0 =	simm.s32 @p2 $0x1  }
0x17: {  	s4 =	simm.s32 $0x1BF5;
	[smem:$0x3FAC] =	sst s0  }
0x18: {  	s0 =	sld [smem:$0x3F8F];
	_ =	swait.ge [sflag:s4], $0x0  }
0x19: {  	s7 =	sld [smem:$0x3F90]  }
0x1a: {  	s8 =	sadd.s32 $0xFFFFE003, lr  }
0x1b: {  	s9 =	sadd.s32 $0xFFFFFEF7, lr;
	s5 =	simm.s32 $0xFFFFFFFF;
	p2 =	slt.u32 s8, $0xFFFFF086  }
0x1c: {  	p1 =	slt.u32 s9, $0xF7A;
	s5 =	simm.s32 @!p2 $0x0  }
0x1d: {  	s5 =	simm.s32 @p1 $0x1;
	p0 =	seq.s32 s7, s2  }
0x1e: {  	s7 =	smul.u32 @!p0 $0xF7A, s2;
	p2 =	seq.s32 @!p0 s5, $0x0  }
0x1f: {  	s9 =	smul.u32 $0xF7A, s1;
	s8 =	simm.s32 @!p0 $0x1BF5;
	p2 =	por !p2, p0  }
0x20: {  	[sflag:s8] =	ssyncset.s32 @!p0 $0xFFFFF086;
	s6 =	sadd.s32 @!p0 s3, s7;
	s7 =	simm.s32 @!p0 $0x108  }
0x21: {  	s3 =	sadd.s32 s3, s9;
	s6 =	sadd.s32 @!p0 $0x88, s6;
	s7 =	simm.s32 @p2 $0x1082  }
0x22: {  	[simem:s7], [sflag:s8] =	dma.local @!p0 [hbm:s6], $0xF7A  }
0x23: {  	s9 =	sor.u32 $0xD0000000, s2;
	s6 =	simm.s32 $0x108;
	_ =	swait.ge @!p0 [sflag:s8], $0x0  }
0x24: {  	s3 =	sadd.s32 $0x88, s3;
	s6 =	simm.s32 @!p1 $0x1082;
	[sflag:s4] =	ssyncset.s32 $0xFFFFF086  }
0x25: {  	[simem:s6], [sflag:s4] =	dma.local [hbm:s3], $0xF7A  }
0x26: {  	[smem:$0x3F90] =	sst s1;
	(tag) =	ssettag s2;
	_ =	strace s9  }
0x27: {  	s1 =	sld [smem:$0x3FA0]  }
0x28: {  	s2 =	sld [smem:$0x3FA1]  }
0x29: {  	s4 =	sld [smem:$0x3FA3]  }
0x2a: {  	p0 =	seq.s32 s5, $0x0;
	s5 =	sld [smem:$0x3FA4]  }
0x2b: {  	s6 =	sld [smem:$0x3FA5]  }
0x2c: {  	s7 =	sld [smem:$0x3FA6]  }
0x2d: {  	s3 =	simm.s32 $0x108;
	s8 =	sld [smem:$0x3FA7]  }
0x2e: {  	s3 =	simm.s32 @!p0 $0x1082;
	s9 =	sld [smem:$0x3FA8]  }
0x2f: {  	lr =	sadd.s32 s0, s3;
	s0 =	sld [smem:$0x3F9F]  }
0x30: {  	s3 =	sld [smem:$0x3FA2]  }
0x31: {  	[smem:$0x3FAB] =	sst s10  }
0x32: {  	s10 =	sld [smem:$0x3FA9];
	_ =	sdelay $0x3  }
0x33: {  	p0 =	seq.s32 s10, $0x1;
	s10 =	sld [smem:$0x3FAB];
	_ =	sdelay $0x3  }
0x34: {  	[smem:$0x3FAB] =	sst s10  }
0x35: {  	s10 =	sld [smem:$0x3FAA];
	_ =	sdelay $0x3  }
0x36: {  	p1 =	seq.s32 s10, $0x1;
	s10 =	sld [smem:$0x3FAB];
	_ =	sdelay $0x3  }
0x37: {  	[smem:$0x3FAB] =	sst s10  }
0x38: {  	s10 =	sld [smem:$0x3FAC]  }
0x39: {  	_ = 	snop;
	(pc) =	sbr.ind lr, $3  }
0x3a: {  	_ = 	snop  }
0x3b: {  	_ = 	snop  }
0x3c: {  	p2 =	seq.s32 s10, $0x1;
	s10 =	sld [smem:$0x3FAB]  }
0x3d: {  	_ =	shalt  }
0x3e: {  	_ =	shalt  }
0x3f: {  	_ =	shalt  }
0x40: {  	_ =	shalt  }
0x41: {  	_ =	shalt  }
0x42: {  	_ =	shalt  }
0x43: {  	_ =	shalt  }
0x44: {  	_ =	shalt  }
0x45: {  	_ =	shalt  }
0x46: {  	_ =	shalt  }
0x47: {  	_ =	shalt  }
0x48: {  	_ =	shalt  }
0x49: {  	_ =	shalt  }
0x4a: {  	_ =	shalt  }
0x4b: {  	_ =	shalt  }
0x4c: {  	_ =	shalt  }
0x4d: {  	_ =	shalt  }
0x4e: {  	_ =	shalt  }
0x4f: {  	_ =	shalt  }
0x50: {  	_ =	shalt  }
0x51: {  	_ =	shalt  }
0x52: {  	_ =	shalt  }
0x53: {  	_ =	shalt  }
0x54: {  	_ =	shalt  }
0x55: {  	_ =	shalt  }
0x56: {  	_ =	shalt  }
0x57: {  	_ =	shalt  }
0x58: {  	_ =	shalt  }
0x59: {  	_ =	shalt  }
0x5a: {  	_ =	shalt  }
0x5b: {  	_ =	shalt  }
0x5c: {  	_ =	shalt  }
0x5d: {  	_ =	shalt  }
0x5e: {  	_ =	shalt  }
0x5f: {  	_ =	shalt  }
0x60: {  	_ =	shalt  }
0x61: {  	_ =	shalt  }
0x62: {  	_ =	shalt  }
0x63: {  	_ =	shalt  }
0x64: {  	_ =	shalt  }
0x65: {  	_ =	shalt  }
0x66: {  	_ =	shalt  }
0x67: {  	_ =	shalt  }
0x68: {  	_ =	shalt  }
0x69: {  	_ =	shalt  }
0x6a: {  	_ =	shalt  }
0x6b: {  	_ =	shalt  }
0x6c: {  	_ =	shalt  }
0x6d: {  	_ =	shalt  }
0x6e: {  	_ =	shalt  }
0x6f: {  	_ =	shalt  }
0x70: {  	_ =	shalt  }
0x71: {  	_ =	shalt  }
0x72: {  	_ =	shalt  }
0x73: {  	_ =	shalt  }
0x74: {  	_ =	shalt  }
0x75: {  	_ =	shalt  }
0x76: {  	_ =	shalt  }
0x77: {  	_ =	shalt  }
0x78: {  	_ =	shalt  }
0x79: {  	_ =	shalt  }
0x7a: {  	_ =	shalt  }
0x7b: {  	_ =	shalt  }
0x7c: {  	_ =	shalt  }
0x7d: {  	_ =	shalt  }
0x7e: {  	_ =	shalt  }
0x7f: {  	_ =	shalt  }
0x80: {  	_ =	shalt  }
0x81: {  	_ =	shalt  }
0x82: {  	_ =	shalt  }
0x83: {  	_ =	shalt  }
0x84: {  	_ =	shalt  }
0x85: {  	_ =	shalt  }
0x86: {  	_ =	shalt  }
0x87: {  	_ =	shalt  }
.Lfunc_end0:
.L_simem_size_0:
called_computation.3_lowered:
.L_overlay_start_0:
0x88: {  	s2 =	sld [smem:$0x3FD9]  }
0x89: {  	s3 =	sld [smem:$0x3FFE];
	_ =	sdelay $0x1  }
0x8a: {  	s1 =	srdreg.scid  }
0x8b: {  	s0 =	sand.u32 $0x1, s1  }
0x8c: {  	s17 =	sshll.u32 s0, $0xA;
	s2 =	sadd.s32 s3, s2  }
0x8d: {  	s2 =	sadd.s32 s2, s17  }
0x8e: {  	[smem:$0x3FB7] =	sst s2  }
0x8f: {  	_ = 	snop  }
0x90: {  	s2 =	sld [smem:$0x3FD0];
	(tm) =	ssettm $0x1  }
0x91: {  	s18 =	sld [smem:$0x3FFB];
	_ =	sdelay $0x3  }
0x92: {  	_ =	strace s18  }
0x93: {  	s3 =	sld [smem:$0x3FFC];
	_ =	sdelay $0x3  }
0x94: {  	_ =	strace s3  }
0x95: {  	s3 =	sld [smem:$0x3FFD];
	_ =	sdelay $0x3  }
0x96: {  	_ =	strace s3  }
0x97: {  	_ =	strace $0x8FFFFFFF  }
0x98: {  	s19 =	sld [smem:$0x3FDB];
	_ =	sdelay $0x1  }
0x99: {  	s4 =	simm.s32 $_scs_section_size  }
0x9a: {  	s5 =	simm.s32 $_size__tile_overlayer_lowered;
	s6 =	simm.s32 $_tile_overlayer_lowered  }
0x9b: {  	s22 =	simm.s32 $0x1BFF;
	s21 =	sshll.u32 s6, $0x1;
	s3 =	sadd.s32 s4, s19  }
0x9c: {  	s7 =	simm.s32 $0x0;
	s20 =	sshll.u32 s5, $0x1;
	s5 =	sadd.s32 s21, s3  }
0x9d: {  	[timem:s7], [sflag:s22] =	dma.local [hbm:s5], s20  }
0x9e: {  	_ =	swait.ge [sflag:s22], s20  }
0x9f: {  	s4 =	ssub.s32 $0x0, s20;
	[sflag:s22] =	ssyncset.done $0x0  }
0xa0: {  	[sflag:s22] =	ssyncadd.s32 s4;
	_ =	sdelay $0x1  }
0xa1: {  	s23 =	simm.s32 $0x1B8B  }
0xa2: {  	_ =	swait.ge [sflag:s23], $0x1  }
0xa3: {  	[sflag:s23] =	ssyncset.done $0x0  }
0xa4: {  	s25 =	simm.s32 $0x1B8E;
	s24 =	sld [smem:$0x3FFE];
	[sflag:s23] =	ssyncadd.s32 $0xFFFFFFFF  }
0xa5: {  	s26 =	simm.s32 $execute0_lowered;
	[smem:$0x3FD2] =	sst s25  }
0xa6: {  	s5 =	sshll.u32 s26, $0x1;
	_ =	strace $0x8000004F;
	[dreg:$0x1] =	wrdreg $0xFFFFFFFF  }
0xa7: {  	s28 =	simm.s32 $_size_execute0_lowered;
	s3 =	sadd.s32 s3, s5;
	[dreg:$0x0] =	wrdreg $0x0  }
0xa8: {  	s5 =	sshll.u32 s28, $0x1;
	[dreg:$0x2] =	wrdreg s3  }
0xa9: {  	[dreg:$0x3] =	wrdreg s5  }
0xaa: {  	[dreg:$0x4] =	wrdreg $0xC0  }
0xab: {  	_ =	task [dreg:s7], $0x5FFFF  }
0xac: {  	[dreg:$0x1] =	wrdreg $0xFFFFFFFF  }
0xad: {  	[dreg:$0x0] =	wrdreg $0x60  }
0xae: {  	[dreg:$0x2] =	wrdreg s24  }
0xaf: {  	[dreg:$0x3] =	wrdreg s2  }
0xb0: {  	[dreg:$0x4] =	wrdreg $0xA0000  }
0xb1: {  	[dreg:$0x5] =	wrdreg $0x9  }
0xb2: {  	_ =	task.clear_ibuf [dreg:s7], $0x6FFFF;
	_ =	strace $0x9000004F  }
0xb3: {  	s29 =	simm.s32 $0x9;
	_ =	strace $0x80000051  }
0xb4: {  	_ =	swait.ge [sflag:s29], $0x1  }
0xb5: {  	[sflag:s29] =	ssyncadd.s32 $0xFFFFFFFF  }
0xb6: {  	_ =	strace $0x90000051  }
0xb7: {  	_ =	sfence  }
0xb8: {  	s30 =	sld [smem:$0x0];
	_ =	sdelay $0x2  }
0xb9: {  	s31 =	sshll.u32 s1, $0xD;
	s1 =	sshrl.u32 s1, $0x2  }
0xba: {  	s3 =	sand.u32 $0x4000, s31;
	s1 =	sadd.s32 s1, s30  }
0xbb: {  	s0 =	sor.u32 s3, s0;
	s1 =	sshll.u32 s1, $0x11  }
0xbc: {  	s0 =	sor.u32 s1, s0  }
0xbd: {  	s0 =	sadd.s32 $0x8F2B, s0  }
0xbe: {  	[sflag:s0] =	ssyncadd.remote.s32 $0x1  }
0xbf: {  	_ =	sfence.sel $0xFFFF  }
0xc0: {  	[dreg:$0x0] =	wrdreg $0xFFFFFFFF;
	(pc) =	sbr.abs _section_cstart, $3  }
0xc1: {  	[dreg:$0x1] =	wrdreg $0xFFFFFFFF  }
0xc2: {  	_ =	task.clear_ibuf [dreg:s7], $0x2FFFF;
	_ =	strace $0x9FFFFFFF  }
0xc3: {  	(tm) =	ssettm $0x7FFFFFFF  }
tec
execute0_lowered:
.L_overlay_start_1:
0x0: {  	(tag) =	ssettag $0x1  }
0x1: {  	s5 =	rddreg [dreg:$0x0]  }
0x2: {  	s0 =	srdreg.scid;
	s8 =	rddreg [dreg:$0x1]  }
0x3: {  	s2 =	rddreg [dreg:$0x2];
	s6 =	sand.u32 $0x1, s0  }
0x4: {  	s0 =	stileid.u32;
	s4 =	smul.u32 $0x30000, s6  }
0x5: {  	s1 =	rddreg [dreg:$0x3];
	s7 =	smul.u32 $0x3000, s0  }
0x6: {  	s3 =	simm.s32 $0x0;
	s16 =	simm.s32 $0x1;
	s28 =	smul.u32 $0x13C00, s0  }
0x7: {  	s17 =	simm.s32 $0x0;
	[smem:$0x7FF] =	sst s3;
	s10 =	smul.u32 $0x13C000, s6  }
0x8: {  	_ =	strace $0x80000050;
	s29 =	ssub.s32 $0x2, s6;
	s14 =	smul.u32 $0x4F000, s0  }
0x9: {  	p0 =	seq.s32 s6, $0x0;
	s31 =	sshll.u32 s0, $0x6;
	s13 =	sshrl.u32 s29, $0x1  }
0xa: {  	s4 =	sadd.s32 s7, s4;
	s12 =	sshrl.u32 s28, $0x3;
	s7 =	sadd.s32 s28, s10  }
0xb: {  	s13 =	ssub.s32 s29, s13;
	s30 =	sshrl.u32 s14, $0x2;
	s9 =	sshrl.u32 s4, $0x3  }
0xc: {  	s4 =	sadd.s32 $0x36400, s5;
	s7 =	sshrl.u32 s7, $0x3;
	s12 =	sadd.s32 s12, s5  }
0xd: {  	s14 =	sadd.s32 s30, s2;
	s11 =	sadd.s32 s9, s5;
	s15 =	sadd.s32 s7, s5  }
0xe: {  	s5 =	simm.s32 $0x60;
	s6 =	sadd.s32 $0xEC00, s12;
	s7 =	sor.u32 $0x1C02, s31  }
0xf: {  	s8 =	sadd.s32 s8, s9;
	s12 =	sshrl.u32 s14, $0x3;
	s14 =	simm.s32 $0x80  }
0x10: {  	s5 =	simm.s32 @!p0 $0x42;
	s9 =	sadd.s32 $0x85400, s11;
	s10 =	sadd.s32 $0x91400, s15  }
0x11: {  	s11 =	smax.u32 s13, $0x1;
	s13 =	simm.s32 $0x2;
	s15 =	simm.s32 $0x6000  }
.LBB2_1:
0x12: {  	[spmem:s12], [sflag:s7] =	dma.local [hbm:s6], $0x2780  }
0x13: {  	_ =	swait.ge [sflag:s13], $0x2780  }
0x14: {  	[sflag:s13] =	ssyncset.done $0x0  }
0x15: {  	[sflag:s13] =	ssyncadd.s32 $0xFFFFD880  }
0x16: {  	[tilespmem:s3], [sflag:$0x2] =	stream.linear.gather [hbm4b:s8+s3], $0x3000, $0x38;
	[tilespmem:$0x1DC00] =	vst v63  }
0x17: {  	_ =	swait.ge [sflag:s13], $0x3000  }
0x18: {  	[sflag:s13] =	ssyncset.done $0x0  }
0x19: {  	s18 =	simm.s32 $0x3000;
	[sflag:s13] =	ssyncadd.s32 $0xFFFFD000  }
0x1a: {  	[tilespmem:s18], [sflag:$0x2] =	stream.linear.gather [hbm4b:s9+s3], $0x3000, $0x38;
	[tilespmem:$0x1DC00] =	vst v63  }
0x1b: {  	_ =	swait.ge [sflag:s13], $0x3000  }
0x1c: {  	[sflag:s13] =	ssyncset.done $0x0  }
0x1d: {  	[sflag:s13] =	ssyncadd.s32 $0xFFFFD000  }
0x1e: {  	[bflag:$0x0] =	sbarrier.arrive $0xFFFF  }
0x1f: {  	[tilespmem:s15], [sflag:$0x1] =	stream.indirect.gather [hbm4b:s4+s14], $0x80, s3, s14, $0xb8;
	[tilespmem:$0x1DC00] =	vst v63  }
0x20: {  	p0 =	sne.s32 s5, $0x1;
	_ =	swait.ge [sflag:s16], $0x4000  }
.Ltmp0:
0x21: {  	[sflag:s16] =	ssyncset.done $0x0;
	(pc) =	sbr.rel @!p0 .LBB2_3-.Ltmp0, $4  }
0x22: {  	[sflag:s16] =	ssyncadd.s32 $0xFFFFC000  }
0x23: {  	[spmem:s2] =	stream.indirect.scatter.add.f32 [tilespmem:s15], [sflag:$0x2], $0x80, s18, s14, $0xb8;
	[tilespmem:$0x1DC00] =	vst v63  }
0x24: {  	_ =	swait.ge [sflag:s13], $0x4000  }
0x25: {  	s19 =	sadd.s32 $0xFFFFFFFF, s5;
	s20 =	simm.s32 $0x0;
	[sflag:s13] =	ssyncset.done $0x0  }
.LBB2_2:
0x26: {  	[sflag:s13] =	ssyncadd.s32 $0xFFFFC000;
	s20 =	sadd.s32 $0x80, s20;
	s18 =	sadd.s32 $0x80, s18  }
0x27: {  	[tilespmem:s15], [sflag:$0x1] =	stream.indirect.gather [hbm4b:s4+s14], $0x80, s20, s14, $0xb8;
	[tilespmem:$0x1DC00] =	vst v63  }
0x28: {  	p0 =	sne.s32 s19, $0x1;
	s19 =	sadd.s32 $0xFFFFFFFF, s19;
	_ =	swait.ge [sflag:s16], $0x4000  }
.Ltmp1:
0x29: {  	[sflag:s16] =	ssyncset.done $0x0;
	(pc) =	sbr.rel @p0 .LBB2_2-.Ltmp1, $4  }
0x2a: {  	[sflag:s16] =	ssyncadd.s32 $0xFFFFC000  }
0x2b: {  	[spmem:s2] =	stream.indirect.scatter.add.f32 [tilespmem:s15], [sflag:$0x2], $0x80, s18, s14, $0xb8;
	[tilespmem:$0x1DC00] =	vst v63  }
0x2c: {  	_ =	swait.ge [sflag:s13], $0x4000  }
0x2d: {  	[sflag:s13] =	ssyncset.done $0x0  }
.LBB2_3:
0x2e: {  	s17 =	sadd.s32 $0x1, s17  }
0x2f: {  	[sflag:s13] =	ssyncadd.s32 $0xFFFFC000;
	p0 =	sne.s32 s17, s11  }
.Ltmp2:
0x30: {  	[bflag:$0x0] =	sbarrier.arrive $0xFFFF;
	(pc) =	sbr.rel @p0 .LBB2_1-.Ltmp2, $4  }
0x31: {  	[hbm:s10], [sflag:s7] =	dma.local [spmem:s12], $0x2780  }
0x32: {  	_ =	swait.ge [sflag:s13], $0x2780  }
0x33: {  	[sflag:s13] =	ssyncset.done $0x0  }
0x34: {  	[sflag:s13] =	ssyncadd.s32 $0xFFFFD880  }
0x35: {  	_ =	sfence.sel $0x180000  }
0x36: {  	[bflag:$0x0] =	sbarrier.arrive $0xFFFF  }
0x37: {  	p0 =	sne.s32 s0, $0x0;
	_ =	strace $0x90000050  }
0x38: {  	s0 =	sadd.s32 @!p0 $0x100000, s1;
	[bflag:$0x2] =	sbarrier.arrive $0xFFFF  }
0x39: {  	[sflag:s0] =	ssyncadd.tile.s32 @!p0 $0x1;
	_ =	shalt  }
.Lfunc_end2:
_tile_overlayer_lowered:
.L_overlay_start_2:
0x3a: {  	(tag) =	ssettag $0x2  }
0x3b: {  	s0 =	rddreg [dreg:$0x0];
	s2 =	stileid.u32  }
0x3c: {  	s1 =	rddreg [dreg:$0x1];
	p0 =	sne.s32 s2, $0x0  }
0x3d: {  	s3 =	rddreg [dreg:$0x2];
	[bflag:$0x3] =	sbarrier.arrive $0xFFFF;
	s2 =	simm.s32 @!p0 $0x1C02  }
0x3e: {  	[timem:s3], [sflag:s2] =	dma.local @!p0 [hbm:s0], s1  }
0x3f: {  	s0 =	simm.s32 @!p0 $0x2  }
0x40: {  	_ =	swait.ge @!p0 [sflag:s0], s1  }
0x41: {  	s1 =	ssub.s32 @!p0 $0x0, s1;
	[sflag:s0] =	ssyncset.done @!p0 $0x0  }
0x42: {  	[sflag:s0] =	ssyncadd.s32 @!p0 s1  }
0x43: {  	[bflag:$0x3] =	sbarrier.arrive $0xFFFF  }
0x44: {  	_ =	shalt  }

</sc_bundles>
